<compile_context>
chip_gen: v7x
topology: tpu7x:2x2x1
jax: 0.10.2.dev20260603
libtpu: 0.0.44.dev20260713+nightly
codegen_flags: <defaults>
</compile_context>

<pallas_src>
import functools

import jax
import jax.numpy as jnp
from jax import lax
from jax.experimental import pallas as pl
from jax.experimental.pallas import tpu as pltpu
from jax.experimental.pallas import tpu_sc as plsc


def _fps_body(m, x_ref, y_ref, z_ref, out_ref):
    R = x_ref.shape[0]
    x = x_ref[:, :]
    y = y_ref[:, :]
    z = z_ref[:, :]
    rows_out = m // 128
    iota_flat = (lax.broadcasted_iota(jnp.int32, (R, 128), 0) * 128
                 + lax.broadcasted_iota(jnp.int32, (R, 128), 1))
    lane = lax.broadcasted_iota(jnp.int32, (1, 128), 1)
    out_iota = (lax.broadcasted_iota(jnp.int32, (rows_out, 128), 0) * 128
                + lax.broadcasted_iota(jnp.int32, (rows_out, 128), 1))

    def body(i, state):
        dists, idxs, r, c = state
        idxs = jnp.where(out_iota == i, r * 128 + c, idxs)
        cm = lane == c
        xf = jnp.sum(jnp.where(cm, x_ref[pl.ds(r, 1), :], 0.0))
        yf = jnp.sum(jnp.where(cm, y_ref[pl.ds(r, 1), :], 0.0))
        zf = jnp.sum(jnp.where(cm, z_ref[pl.ds(r, 1), :], 0.0))
        d = (x - xf) ** 2 + (y - yf) ** 2 + (z - zf) ** 2
        dists = jnp.minimum(dists, d)
        mx = jnp.max(dists)
        far = jnp.min(jnp.where(dists == mx, iota_flat, jnp.int32(R * 128)))
        return dists, idxs, far // 128, far % 128

    dists0 = jnp.full((R, 128), 1e10, dtype=jnp.float32)
    idxs0 = jnp.zeros((rows_out, 128), dtype=jnp.int32)
    _, idxs, _, _ = lax.fori_loop(
        0, m, body, (dists0, idxs0, jnp.int32(0), jnp.int32(0)))
    out_ref[:, :] = idxs


def _fps(pos, m):
    n = pos.shape[0]
    x = pos[:, 0].reshape(n // 128, 128)
    y = pos[:, 1].reshape(n // 128, 128)
    z = pos[:, 2].reshape(n // 128, 128)
    idxs = pl.pallas_call(
        functools.partial(_fps_body, m),
        out_shape=jax.ShapeDtypeStruct((m // 128, 128), jnp.int32),
    )(x, y, z)
    return idxs.reshape(m)


def _knn(query, ref, k):
    d = (jnp.sum(query * query, axis=1, keepdims=True)
         + jnp.sum(ref * ref, axis=1)[None, :]
         - 2.0 * (query @ ref.T))
    neg_d, idx = lax.top_k(-d, k)
    return idx, -neg_d


def _sc_gather(table, idx):
    V, D = table.shape
    B = idx.shape[0]
    NW = 32
    b_per_w = B // NW
    CH = 512 if b_per_w >= 512 else b_per_w
    nch = b_per_w // CH
    mesh = plsc.VectorSubcoreMesh(core_axis_name="c", subcore_axis_name="s")

    @functools.partial(
        pl.kernel, mesh=mesh,
        out_type=jax.ShapeDtypeStruct((B, D), jnp.float32),
        scratch_types=[
            pltpu.VMEM((CH,), jnp.int32),
            pltpu.VMEM((CH, D), jnp.float32),
            pltpu.SemaphoreType.DMA,
        ],
    )
    def k(table_hbm, idx_hbm, out_hbm, idx_v, rows_v, sem):
        wid = lax.axis_index("s") * 2 + lax.axis_index("c")
        base = wid * b_per_w

        def body(ch, _):
            off = base + ch * CH
            pltpu.sync_copy(idx_hbm.at[pl.ds(off, CH)], idx_v)
            pltpu.async_copy(table_hbm.at[idx_v], rows_v, sem).wait()
            pltpu.sync_copy(rows_v, out_hbm.at[pl.ds(off, CH)])
            return 0

        lax.fori_loop(0, nch, body, 0)

    return k(table, idx)


def _gather_rows(table, idx):
    V, D = table.shape
    flat = idx.reshape(-1)
    B = flat.shape[0]
    if D % 128 == 0 and B % 256 == 0 and (B // 32) % 8 == 0:
        out = _sc_gather(table, flat)
    else:
        out = table[flat]
    return out.reshape(idx.shape + (D,))


def _bn(x):
    axes = tuple(range(x.ndim - 1))
    mean = jnp.mean(x, axis=axes, keepdims=True)
    var = jnp.var(x, axis=axes, keepdims=True)
    return (x - mean) / jnp.sqrt(var + 1e-5)


def _mlp(x, layers):
    for W, b in layers:
        x = jax.nn.relu(_bn(x @ W + b))
    return x


def kernel(pos, feat, offset, params):
    del offset
    feat0 = jnp.concatenate([pos, feat], axis=1)

    o = _fps(pos, 4096)
    pos_l = [pos, pos[o[:4096]], pos[o[:1024]], pos[o[:256]], pos[o[:64]]]

    feats = [feat0]
    for lvl, (name, nsub) in enumerate(
            [('sa1', 4096), ('sa2', 1024), ('sa3', 256), ('sa4', 64)]):
        p_in, p_out = pos_l[lvl], pos_l[lvl + 1]
        nn_idx, _ = _knn(p_out, p_in, 32)
        grouped_pos = p_in[nn_idx] - p_out[:, None, :]
        grouped = jnp.concatenate([grouped_pos, feats[-1][nn_idx]], axis=-1)
        feats.append(jnp.max(_mlp(grouped, params[name]), axis=1))

    f1, f2, f3, f4 = feats[1], feats[2], feats[3], feats[4]

    def fp(pos1, feat1, pos2, feat2, layers):
        idx, d = _knn(pos1, pos2, 3)
        w = 1.0 / (d + 1e-8)
        w = w / jnp.sum(w, axis=1, keepdims=True)
        interp = jnp.sum(_gather_rows(feat2, idx) * w[..., None], axis=1)
        x = interp if feat1 is None else jnp.concatenate([feat1, interp], axis=-1)
        return _mlp(x, layers)

    f3 = fp(pos_l[3], f3, pos_l[4], f4, params['fp4'])
    f2 = fp(pos_l[2], f2, pos_l[3], f3, params['fp3'])
    f1 = fp(pos_l[1], f1, pos_l[2], f2, params['fp2'])
    x = fp(pos_l[0], None, pos_l[1], f1, params['fp1'])
    (w1, b1), (w2, b2) = params['cls']
    x = jax.nn.relu(_bn(x @ w1 + b1))
    x = x @ w2 + b2
    return x

# --- scband reference (transcript-rebuilt; emitter-appended) ---
"""Pipeline reference for scband-model-18253611008386 (READ-ONLY COPY).

The authoritative reference and input builder live on the scoring server;
editing this copy changes nothing except your own understanding.
"""

import jax, jax.numpy as jnp
import numpy as np


def _knn(query, ref, k):
    query = jax.lax.stop_gradient(query)
    ref = jax.lax.stop_gradient(ref)
    d = jnp.sum(query * query, axis=1, keepdims=True) + jnp.sum(ref * ref, axis=1)[None, :] - 2.0 * (query @ ref.T)
    neg_d, idx = jax.lax.top_k(-d, k)
    return idx, -neg_d


def _fps(pos, m):
    pos = jax.lax.stop_gradient(pos)
    n = pos.shape[0]

    def body(i, state):
        dists, idxs, far = state
        idxs = idxs.at[i].set(far)
        d = jnp.sum((pos - pos[far]) ** 2, axis=1)
        dists = jnp.minimum(dists, d)
        far = jnp.argmax(dists).astype(jnp.int32)
        return dists, idxs, far

    dists0 = jnp.full((n,), 1e10, dtype=pos.dtype)
    idxs0 = jnp.zeros((m,), dtype=jnp.int32)
    _, idxs, _ = jax.lax.fori_loop(0, m, body, (dists0, idxs0, jnp.int32(0)))
    return idxs


def _bn(x):
    axes = tuple(range(x.ndim - 1))
    mean = jnp.mean(x, axis=axes, keepdims=True)
    var = jnp.var(x, axis=axes, keepdims=True)
    return (x - mean) / jnp.sqrt(var + 1e-5)


def _mlp(x, layers):
    for W, b in layers:
        x = jax.nn.relu(_bn(x @ W + b))
    return x


def _sa(pos, feat, layers, stride, nsample):
    m = pos.shape[0] // stride
    s_idx = _fps(pos, m)
    new_pos = pos[s_idx]
    nn_idx, _ = _knn(new_pos, pos, nsample)
    grouped_pos = pos[nn_idx] - new_pos[:, None, :]
    grouped = jnp.concatenate([grouped_pos, feat[nn_idx]], axis=-1)
    new_feat = jnp.max(_mlp(grouped, layers), axis=1)
    return new_pos, new_feat


def _fp(pos1, feat1, pos2, feat2, layers):
    idx, d = _knn(pos1, pos2, 3)
    w = 1.0 / (d + 1e-8)
    w = w / jnp.sum(w, axis=1, keepdims=True)
    interp = jnp.sum(feat2[idx] * w[..., None], axis=1)
    x = interp if feat1 is None else jnp.concatenate([feat1, interp], axis=-1)
    return _mlp(x, layers)


def _make_layers(key, dims):
    layers = []
    for cin, cout in zip(dims[:-1], dims[1:]):
        key, k1 = jax.random.split(key)
        W = jax.random.normal(k1, (cin, cout), dtype=jnp.float32) * jnp.sqrt(2.0 / cin)
        layers.append((W, jnp.zeros((cout,), jnp.float32)))
    return key, layers


def setup_inputs(seed: int = 0):
    key = jax.random.key(seed)
    k1, k2, key = jax.random.split(key, 3)
    n = 16384
    num_class = 13
    pos = jax.random.uniform(k1, (n, 3), dtype=jnp.float32)
    feat = jax.random.uniform(k2, (n, 3), dtype=jnp.float32)
    offset = jnp.array([n], dtype=jnp.int32)
    params = {}
    key, params['sa1'] = _make_layers(key, [9, 32, 32, 64])
    key, params['sa2'] = _make_layers(key, [67, 64, 64, 128])
    key, params['sa3'] = _make_layers(key, [131, 128, 128, 256])
    key, params['sa4'] = _make_layers(key, [259, 256, 256, 512])
    key, params['fp4'] = _make_layers(key, [768, 256, 256])
    key, params['fp3'] = _make_layers(key, [384, 256, 256])
    key, params['fp2'] = _make_layers(key, [320, 256, 128])
    key, params['fp1'] = _make_layers(key, [128, 128, 128, 128])
    key, params['cls'] = _make_layers(key, [128, 128, num_class])
    return {'pos': pos, 'feat': feat, 'offset': offset, 'params': params}


def reference(pos, feat, offset, params):
    # pos_feat_off0[1] = cat([pos, feat], 1)
    feat0 = jnp.concatenate([pos, feat], axis=1)
    pos1, feat1 = _sa(pos, feat0, params['sa1'], 4, 32)
    pos2, feat2 = _sa(pos1, feat1, params['sa2'], 4, 32)
    pos3, feat3 = _sa(pos2, feat2, params['sa3'], 4, 32)
    pos4, feat4 = _sa(pos3, feat3, params['sa4'], 4, 32)
    feat3 = _fp(pos3, feat3, pos4, feat4, params['fp4'])
    feat2 = _fp(pos2, feat2, pos3, feat3, params['fp3'])
    feat1 = _fp(pos1, feat1, pos2, feat2, params['fp2'])
    x = _fp(pos, None, pos1, feat1, params['fp1'])
    (w1, b1), (w2, b2) = params['cls']
    x = jax.nn.relu(_bn(x @ w1 + b1))
    # Dropout in eval mode is identity
    x = x @ w2 + b2
    return x

if __name__ == "__main__":
    import jax
    _d = setup_inputs()
    print(jax.jit(kernel)(*tuple(_d.values())))

</pallas_src>

<mosaic_0001>
#map = affine_map<(d0, d1) -> (0, 0)>
#map1 = affine_map<(d0, d1) -> (0)>
module attributes {stable_mosaic.version = 14 : i64} {
  func.func @k(%arg0: i32, %arg1: i32, %arg2: memref<1024x256xf32, #tpu.memory_space<hbm>>, %arg3: memref<12288xi32, #tpu.memory_space<hbm>>, %arg4: memref<12288x256xf32, #tpu.memory_space<hbm>>, %arg5: memref<384xi32, #tpu.memory_space<vmem>>, %arg6: memref<384x256xf32, #tpu.memory_space<vmem>>, %arg7: memref<!tpu.dma_semaphore, #tpu.memory_space<semaphore_mem>>) attributes {dimension_semantics = [#tpu.dimension_semantics<core_parallel>, #tpu.dimension_semantics<subcore_parallel>], iteration_bounds = array<i64: 2, 16>, scalar_prefetch = 0 : i64, scratch_operands = 3 : i64, tpu.core_type = #tpu.core_type<sc_vector_subcore>, window_params = [{transform_indices = #map}, {transform_indices = #map1}, {transform_indices = #map}]} {
    %mul3A = arith.constant 2 : i32
    %mul3A_0 = arith.muli %arg1, %mul3A : i32
    %add3A = arith.addi %mul3A_0, %arg0 : i32
    %mul3A_1 = arith.constant 384 : i32
    %mul3A_2 = arith.muli %add3A, %mul3A_1 : i32
    %scan3A = arith.constant 0 : i32
    %scan3A_3 = arith.constant 0 : i32
    %mul3A_4 = arith.constant 384 : i32
    %mul3A_5 = arith.muli %scan3A_3, %mul3A_4 : i32
    %add3A_6 = arith.addi %mul3A_2, %mul3A_5 : i32
    "tpu.region"() ({
      %run_scoped3A = tpu.sem_alloc : memref<!tpu.dma_semaphore, #tpu.memory_space<semaphore_mem>>
      %dma_start3A_13 = tpu.memref_slice %arg3[%add3A_6] : memref<12288xi32, #tpu.memory_space<hbm>> -> memref<384xi32, #tpu.memory_space<hbm>>
      %dma_start3A_14 = tpu.memref_slice %arg3[%add3A_6] : memref<12288xi32, #tpu.memory_space<hbm>> -> memref<384xi32, #tpu.memory_space<hbm>>
      tpu.enqueue_dma source(%dma_start3A_14 : memref<384xi32, #tpu.memory_space<hbm>>) target(%arg5 : memref<384xi32, #tpu.memory_space<vmem>>) target_semaphore(%run_scoped3A : memref<!tpu.dma_semaphore, #tpu.memory_space<semaphore_mem>>)
      %dma_wait3A_15 = tpu.memref_slice %arg3[%add3A_6] : memref<12288xi32, #tpu.memory_space<hbm>> -> memref<384xi32, #tpu.memory_space<hbm>>
      %dma_wait3A_16 = tpu.memref_slice %arg3[%add3A_6] : memref<12288xi32, #tpu.memory_space<hbm>> -> memref<384xi32, #tpu.memory_space<hbm>>
      tpu.wait_dma2 semaphore(%run_scoped3A : memref<!tpu.dma_semaphore, #tpu.memory_space<semaphore_mem>>) src(%dma_wait3A_16 : memref<384xi32, #tpu.memory_space<hbm>>) dst(%arg5 : memref<384xi32, #tpu.memory_space<vmem>>)
      tpu.yield
    }) : () -> ()
    %dma_start3A = arith.constant 0 : i32
    %dma_start3A_7 = arith.constant 0 : i32
    %dma_start3A_8 = tpu.memref_slice %arg2[%dma_start3A, %dma_start3A_7] : memref<1024x256xf32, #tpu.memory_space<hbm>> -> memref<1024x256xf32, #tpu.memory_space<hbm>>
    tpu.enqueue_indirect_dma source(%dma_start3A_8 : memref<1024x256xf32, #tpu.memory_space<hbm>>) target(%arg6 : memref<384x256xf32, #tpu.memory_space<vmem>>) offsets(%arg5 : memref<384xi32, #tpu.memory_space<vmem>>) semaphore(%arg7 : memref<!tpu.dma_semaphore, #tpu.memory_space<semaphore_mem>>)
    %dma_wait3A = arith.constant 0 : i32
    %dma_wait3A_9 = arith.constant 0 : i32
    %dma_wait3A_10 = tpu.memref_slice %arg2[%dma_wait3A, %dma_wait3A_9] : memref<1024x256xf32, #tpu.memory_space<hbm>> -> memref<1024x256xf32, #tpu.memory_space<hbm>>
    tpu.wait_indirect_dma semaphore(%arg7 : memref<!tpu.dma_semaphore, #tpu.memory_space<semaphore_mem>>) src(%dma_wait3A_10 : memref<1024x256xf32, #tpu.memory_space<hbm>>) dst(%arg6 : memref<384x256xf32, #tpu.memory_space<vmem>>)
    "tpu.region"() ({
      %run_scoped3A = tpu.sem_alloc : memref<!tpu.dma_semaphore, #tpu.memory_space<semaphore_mem>>
      %dma_start3A_13 = arith.constant 0 : i32
      %dma_start3A_14 = tpu.memref_slice %arg4[%add3A_6, %dma_start3A_13] : memref<12288x256xf32, #tpu.memory_space<hbm>> -> memref<384x256xf32, #tpu.memory_space<hbm>>
      %dma_start3A_15 = arith.constant 0 : i32
      %dma_start3A_16 = tpu.memref_slice %arg4[%add3A_6, %dma_start3A_15] : memref<12288x256xf32, #tpu.memory_space<hbm>> -> memref<384x256xf32, #tpu.memory_space<hbm>>
      tpu.enqueue_dma source(%arg6 : memref<384x256xf32, #tpu.memory_space<vmem>>) target(%dma_start3A_16 : memref<384x256xf32, #tpu.memory_space<hbm>>) target_semaphore(%run_scoped3A : memref<!tpu.dma_semaphore, #tpu.memory_space<semaphore_mem>>)
      %dma_wait3A_17 = arith.constant 0 : i32
      %dma_wait3A_18 = tpu.memref_slice %arg4[%add3A_6, %dma_wait3A_17] : memref<12288x256xf32, #tpu.memory_space<hbm>> -> memref<384x256xf32, #tpu.memory_space<hbm>>
      %dma_wait3A_19 = arith.constant 0 : i32
      %dma_wait3A_20 = tpu.memref_slice %arg4[%add3A_6, %dma_wait3A_19] : memref<12288x256xf32, #tpu.memory_space<hbm>> -> memref<384x256xf32, #tpu.memory_space<hbm>>
      tpu.wait_dma2 semaphore(%run_scoped3A : memref<!tpu.dma_semaphore, #tpu.memory_space<semaphore_mem>>) src(%arg6 : memref<384x256xf32, #tpu.memory_space<vmem>>) dst(%dma_wait3A_20 : memref<384x256xf32, #tpu.memory_space<hbm>>)
      tpu.yield
    }) : () -> ()
    %scan3A_11 = arith.constant 0 : i32
    %scan3A_12 = arith.constant 1 : i32
    return
  }
}

#map = affine_map<(d0, d1) -> (0, 0)>
#map1 = affine_map<(d0, d1) -> (0)>
module attributes {stable_mosaic.version = 14 : i64} {
  func.func @k(%arg0: i32, %arg1: i32, %arg2: memref<4096x128xf32, #tpu.memory_space<hbm>>, %arg3: memref<49152xi32, #tpu.memory_space<hbm>>, %arg4: memref<49152x128xf32, #tpu.memory_space<hbm>>, %arg5: memref<512xi32, #tpu.memory_space<vmem>>, %arg6: memref<512x128xf32, #tpu.memory_space<vmem>>, %arg7: memref<!tpu.dma_semaphore, #tpu.memory_space<semaphore_mem>>) attributes {dimension_semantics = [#tpu.dimension_semantics<core_parallel>, #tpu.dimension_semantics<subcore_parallel>], iteration_bounds = array<i64: 2, 16>, scalar_prefetch = 0 : i64, scratch_operands = 3 : i64, tpu.core_type = #tpu.core_type<sc_vector_subcore>, window_params = [{transform_indices = #map}, {transform_indices = #map1}, {transform_indices = #map}]} {
    %mul3A = arith.constant 2 : i32
    %mul3A_0 = arith.muli %arg1, %mul3A : i32
    %add3A = arith.addi %mul3A_0, %arg0 : i32
    %mul3A_1 = arith.constant 1536 : i32
    %mul3A_2 = arith.muli %add3A, %mul3A_1 : i32
    %scan3A = arith.constant 0 : i32
    %scan3A_3 = arith.constant 0 : i32
    %scan3A_4 = arith.constant 3 : i32
    %scan3A_5 = arith.addi %scan3A_3, %scan3A_4 : i32
    %scan3A_6 = arith.constant 1 : i32
    %scan3A_7 = scf.for %scan3A_9 = %scan3A_3 to %scan3A_5 step %scan3A_6 iter_args(%scan3A_10 = %scan3A) -> (i32)  : i32 {
      %mul3A_11 = arith.constant 512 : i32
      %mul3A_12 = arith.muli %scan3A_9, %mul3A_11 : i32
      %add3A_13 = arith.addi %mul3A_2, %mul3A_12 : i32
      "tpu.region"() ({
        %run_scoped3A = tpu.sem_alloc : memref<!tpu.dma_semaphore, #tpu.memory_space<semaphore_mem>>
        %dma_start3A_19 = tpu.memref_slice %arg3[%add3A_13] : memref<49152xi32, #tpu.memory_space<hbm>> -> memref<512xi32, #tpu.memory_space<hbm>>
        %dma_start3A_20 = tpu.memref_slice %arg3[%add3A_13] : memref<49152xi32, #tpu.memory_space<hbm>> -> memref<512xi32, #tpu.memory_space<hbm>>
        tpu.enqueue_dma source(%dma_start3A_20 : memref<512xi32, #tpu.memory_space<hbm>>) target(%arg5 : memref<512xi32, #tpu.memory_space<vmem>>) target_semaphore(%run_scoped3A : memref<!tpu.dma_semaphore, #tpu.memory_space<semaphore_mem>>)
        %dma_wait3A_21 = tpu.memref_slice %arg3[%add3A_13] : memref<49152xi32, #tpu.memory_space<hbm>> -> memref<512xi32, #tpu.memory_space<hbm>>
        %dma_wait3A_22 = tpu.memref_slice %arg3[%add3A_13] : memref<49152xi32, #tpu.memory_space<hbm>> -> memref<512xi32, #tpu.memory_space<hbm>>
        tpu.wait_dma2 semaphore(%run_scoped3A : memref<!tpu.dma_semaphore, #tpu.memory_space<semaphore_mem>>) src(%dma_wait3A_22 : memref<512xi32, #tpu.memory_space<hbm>>) dst(%arg5 : memref<512xi32, #tpu.memory_space<vmem>>)
        tpu.yield
      }) : () -> ()
      %dma_start3A = arith.constant 0 : i32
      %dma_start3A_14 = arith.constant 0 : i32
      %dma_start3A_15 = tpu.memref_slice %arg2[%dma_start3A, %dma_start3A_14] : memref<4096x128xf32, #tpu.memory_space<hbm>> -> memref<4096x128xf32, #tpu.memory_space<hbm>>
      tpu.enqueue_indirect_dma source(%dma_start3A_15 : memref<4096x128xf32, #tpu.memory_space<hbm>>) target(%arg6 : memref<512x128xf32, #tpu.memory_space<vmem>>) offsets(%arg5 : memref<512xi32, #tpu.memory_space<vmem>>) semaphore(%arg7 : memref<!tpu.dma_semaphore, #tpu.memory_space<semaphore_mem>>)
      %dma_wait3A = arith.constant 0 : i32
      %dma_wait3A_16 = arith.constant 0 : i32
      %dma_wait3A_17 = tpu.memref_slice %arg2[%dma_wait3A, %dma_wait3A_16] : memref<4096x128xf32, #tpu.memory_space<hbm>> -> memref<4096x128xf32, #tpu.memory_space<hbm>>
      tpu.wait_indirect_dma semaphore(%arg7 : memref<!tpu.dma_semaphore, #tpu.memory_space<semaphore_mem>>) src(%dma_wait3A_17 : memref<4096x128xf32, #tpu.memory_space<hbm>>) dst(%arg6 : memref<512x128xf32, #tpu.memory_space<vmem>>)
      "tpu.region"() ({
        %run_scoped3A = tpu.sem_alloc : memref<!tpu.dma_semaphore, #tpu.memory_space<semaphore_mem>>
        %dma_start3A_19 = arith.constant 0 : i32
        %dma_start3A_20 = tpu.memref_slice %arg4[%add3A_13, %dma_start3A_19] : memref<49152x128xf32, #tpu.memory_space<hbm>> -> memref<512x128xf32, #tpu.memory_space<hbm>>
        %dma_start3A_21 = arith.constant 0 : i32
        %dma_start3A_22 = tpu.memref_slice %arg4[%add3A_13, %dma_start3A_21] : memref<49152x128xf32, #tpu.memory_space<hbm>> -> memref<512x128xf32, #tpu.memory_space<hbm>>
        tpu.enqueue_dma source(%arg6 : memref<512x128xf32, #tpu.memory_space<vmem>>) target(%dma_start3A_22 : memref<512x128xf32, #tpu.memory_space<hbm>>) target_semaphore(%run_scoped3A : memref<!tpu.dma_semaphore, #tpu.memory_space<semaphore_mem>>)
        %dma_wait3A_23 = arith.constant 0 : i32
        %dma_wait3A_24 = tpu.memref_slice %arg4[%add3A_13, %dma_wait3A_23] : memref<49152x128xf32, #tpu.memory_space<hbm>> -> memref<512x128xf32, #tpu.memory_space<hbm>>
        %dma_wait3A_25 = arith.constant 0 : i32
        %dma_wait3A_26 = tpu.memref_slice %arg4[%add3A_13, %dma_wait3A_25] : memref<49152x128xf32, #tpu.memory_space<hbm>> -> memref<512x128xf32, #tpu.memory_space<hbm>>
        tpu.wait_dma2 semaphore(%run_scoped3A : memref<!tpu.dma_semaphore, #tpu.memory_space<semaphore_mem>>) src(%arg6 : memref<512x128xf32, #tpu.memory_space<vmem>>) dst(%dma_wait3A_26 : memref<512x128xf32, #tpu.memory_space<hbm>>)
        tpu.yield
      }) : () -> ()
      %scan3A_18 = arith.constant 0 : i32
      scf.yield %scan3A_18 : i32
    }
    %scan3A_8 = arith.constant 3 : i32
    return
  }
}

#map = affine_map<(d0, d1) -> (0, 0)>
#map1 = affine_map<(d0, d1) -> (0)>
module attributes {stable_mosaic.version = 14 : i64} {
  func.func @k(%arg0: i32, %arg1: i32, %arg2: memref<64x512xf32, #tpu.memory_space<hbm>>, %arg3: memref<768xi32, #tpu.memory_space<hbm>>, %arg4: memref<768x512xf32, #tpu.memory_space<hbm>>, %arg5: memref<24xi32, #tpu.memory_space<vmem>>, %arg6: memref<24x512xf32, #tpu.memory_space<vmem>>, %arg7: memref<!tpu.dma_semaphore, #tpu.memory_space<semaphore_mem>>) attributes {dimension_semantics = [#tpu.dimension_semantics<core_parallel>, #tpu.dimension_semantics<subcore_parallel>], iteration_bounds = array<i64: 2, 16>, scalar_prefetch = 0 : i64, scratch_operands = 3 : i64, tpu.core_type = #tpu.core_type<sc_vector_subcore>, window_params = [{transform_indices = #map}, {transform_indices = #map1}, {transform_indices = #map}]} {
    %mul3A = arith.constant 2 : i32
    %mul3A_0 = arith.muli %arg1, %mul3A : i32
    %add3A = arith.addi %mul3A_0, %arg0 : i32
    %mul3A_1 = arith.constant 24 : i32
    %mul3A_2 = arith.muli %add3A, %mul3A_1 : i32
    %scan3A = arith.constant 0 : i32
    %scan3A_3 = arith.constant 0 : i32
    %mul3A_4 = arith.constant 24 : i32
    %mul3A_5 = arith.muli %scan3A_3, %mul3A_4 : i32
    %add3A_6 = arith.addi %mul3A_2, %mul3A_5 : i32
    "tpu.region"() ({
      %run_scoped3A = tpu.sem_alloc : memref<!tpu.dma_semaphore, #tpu.memory_space<semaphore_mem>>
      %dma_start3A_13 = tpu.memref_slice %arg3[%add3A_6] : memref<768xi32, #tpu.memory_space<hbm>> -> memref<24xi32, #tpu.memory_space<hbm>>
      %dma_start3A_14 = tpu.memref_slice %arg3[%add3A_6] : memref<768xi32, #tpu.memory_space<hbm>> -> memref<24xi32, #tpu.memory_space<hbm>>
      tpu.enqueue_dma source(%dma_start3A_14 : memref<24xi32, #tpu.memory_space<hbm>>) target(%arg5 : memref<24xi32, #tpu.memory_space<vmem>>) target_semaphore(%run_scoped3A : memref<!tpu.dma_semaphore, #tpu.memory_space<semaphore_mem>>)
      %dma_wait3A_15 = tpu.memref_slice %arg3[%add3A_6] : memref<768xi32, #tpu.memory_space<hbm>> -> memref<24xi32, #tpu.memory_space<hbm>>
      %dma_wait3A_16 = tpu.memref_slice %arg3[%add3A_6] : memref<768xi32, #tpu.memory_space<hbm>> -> memref<24xi32, #tpu.memory_space<hbm>>
      tpu.wait_dma2 semaphore(%run_scoped3A : memref<!tpu.dma_semaphore, #tpu.memory_space<semaphore_mem>>) src(%dma_wait3A_16 : memref<24xi32, #tpu.memory_space<hbm>>) dst(%arg5 : memref<24xi32, #tpu.memory_space<vmem>>)
      tpu.yield
    }) : () -> ()
    %dma_start3A = arith.constant 0 : i32
    %dma_start3A_7 = arith.constant 0 : i32
    %dma_start3A_8 = tpu.memref_slice %arg2[%dma_start3A, %dma_start3A_7] : memref<64x512xf32, #tpu.memory_space<hbm>> -> memref<64x512xf32, #tpu.memory_space<hbm>>
    tpu.enqueue_indirect_dma source(%dma_start3A_8 : memref<64x512xf32, #tpu.memory_space<hbm>>) target(%arg6 : memref<24x512xf32, #tpu.memory_space<vmem>>) offsets(%arg5 : memref<24xi32, #tpu.memory_space<vmem>>) semaphore(%arg7 : memref<!tpu.dma_semaphore, #tpu.memory_space<semaphore_mem>>)
    %dma_wait3A = arith.constant 0 : i32
    %dma_wait3A_9 = arith.constant 0 : i32
    %dma_wait3A_10 = tpu.memref_slice %arg2[%dma_wait3A, %dma_wait3A_9] : memref<64x512xf32, #tpu.memory_space<hbm>> -> memref<64x512xf32, #tpu.memory_space<hbm>>
    tpu.wait_indirect_dma semaphore(%arg7 : memref<!tpu.dma_semaphore, #tpu.memory_space<semaphore_mem>>) src(%dma_wait3A_10 : memref<64x512xf32, #tpu.memory_space<hbm>>) dst(%arg6 : memref<24x512xf32, #tpu.memory_space<vmem>>)
    "tpu.region"() ({
      %run_scoped3A = tpu.sem_alloc : memref<!tpu.dma_semaphore, #tpu.memory_space<semaphore_mem>>
      %dma_start3A_13 = arith.constant 0 : i32
      %dma_start3A_14 = tpu.memref_slice %arg4[%add3A_6, %dma_start3A_13] : memref<768x512xf32, #tpu.memory_space<hbm>> -> memref<24x512xf32, #tpu.memory_space<hbm>>
      %dma_start3A_15 = arith.constant 0 : i32
      %dma_start3A_16 = tpu.memref_slice %arg4[%add3A_6, %dma_start3A_15] : memref<768x512xf32, #tpu.memory_space<hbm>> -> memref<24x512xf32, #tpu.memory_space<hbm>>
      tpu.enqueue_dma source(%arg6 : memref<24x512xf32, #tpu.memory_space<vmem>>) target(%dma_start3A_16 : memref<24x512xf32, #tpu.memory_space<hbm>>) target_semaphore(%run_scoped3A : memref<!tpu.dma_semaphore, #tpu.memory_space<semaphore_mem>>)
      %dma_wait3A_17 = arith.constant 0 : i32
      %dma_wait3A_18 = tpu.memref_slice %arg4[%add3A_6, %dma_wait3A_17] : memref<768x512xf32, #tpu.memory_space<hbm>> -> memref<24x512xf32, #tpu.memory_space<hbm>>
      %dma_wait3A_19 = arith.constant 0 : i32
      %dma_wait3A_20 = tpu.memref_slice %arg4[%add3A_6, %dma_wait3A_19] : memref<768x512xf32, #tpu.memory_space<hbm>> -> memref<24x512xf32, #tpu.memory_space<hbm>>
      tpu.wait_dma2 semaphore(%run_scoped3A : memref<!tpu.dma_semaphore, #tpu.memory_space<semaphore_mem>>) src(%arg6 : memref<24x512xf32, #tpu.memory_space<vmem>>) dst(%dma_wait3A_20 : memref<24x512xf32, #tpu.memory_space<hbm>>)
      tpu.yield
    }) : () -> ()
    %scan3A_11 = arith.constant 0 : i32
    %scan3A_12 = arith.constant 1 : i32
    return
  }
}

#map = affine_map<(d0, d1) -> (0, 0)>
#map1 = affine_map<(d0, d1) -> (0)>
module attributes {stable_mosaic.version = 14 : i64} {
  func.func @k(%arg0: i32, %arg1: i32, %arg2: memref<256x256xf32, #tpu.memory_space<hbm>>, %arg3: memref<3072xi32, #tpu.memory_space<hbm>>, %arg4: memref<3072x256xf32, #tpu.memory_space<hbm>>, %arg5: memref<96xi32, #tpu.memory_space<vmem>>, %arg6: memref<96x256xf32, #tpu.memory_space<vmem>>, %arg7: memref<!tpu.dma_semaphore, #tpu.memory_space<semaphore_mem>>) attributes {dimension_semantics = [#tpu.dimension_semantics<core_parallel>, #tpu.dimension_semantics<subcore_parallel>], iteration_bounds = array<i64: 2, 16>, scalar_prefetch = 0 : i64, scratch_operands = 3 : i64, tpu.core_type = #tpu.core_type<sc_vector_subcore>, window_params = [{transform_indices = #map}, {transform_indices = #map1}, {transform_indices = #map}]} {
    %mul3A = arith.constant 2 : i32
    %mul3A_0 = arith.muli %arg1, %mul3A : i32
    %add3A = arith.addi %mul3A_0, %arg0 : i32
    %mul3A_1 = arith.constant 96 : i32
    %mul3A_2 = arith.muli %add3A, %mul3A_1 : i32
    %scan3A = arith.constant 0 : i32
    %scan3A_3 = arith.constant 0 : i32
    %mul3A_4 = arith.constant 96 : i32
    %mul3A_5 = arith.muli %scan3A_3, %mul3A_4 : i32
    %add3A_6 = arith.addi %mul3A_2, %mul3A_5 : i32
    "tpu.region"() ({
      %run_scoped3A = tpu.sem_alloc : memref<!tpu.dma_semaphore, #tpu.memory_space<semaphore_mem>>
      %dma_start3A_13 = tpu.memref_slice %arg3[%add3A_6] : memref<3072xi32, #tpu.memory_space<hbm>> -> memref<96xi32, #tpu.memory_space<hbm>>
      %dma_start3A_14 = tpu.memref_slice %arg3[%add3A_6] : memref<3072xi32, #tpu.memory_space<hbm>> -> memref<96xi32, #tpu.memory_space<hbm>>
      tpu.enqueue_dma source(%dma_start3A_14 : memref<96xi32, #tpu.memory_space<hbm>>) target(%arg5 : memref<96xi32, #tpu.memory_space<vmem>>) target_semaphore(%run_scoped3A : memref<!tpu.dma_semaphore, #tpu.memory_space<semaphore_mem>>)
      %dma_wait3A_15 = tpu.memref_slice %arg3[%add3A_6] : memref<3072xi32, #tpu.memory_space<hbm>> -> memref<96xi32, #tpu.memory_space<hbm>>
      %dma_wait3A_16 = tpu.memref_slice %arg3[%add3A_6] : memref<3072xi32, #tpu.memory_space<hbm>> -> memref<96xi32, #tpu.memory_space<hbm>>
      tpu.wait_dma2 semaphore(%run_scoped3A : memref<!tpu.dma_semaphore, #tpu.memory_space<semaphore_mem>>) src(%dma_wait3A_16 : memref<96xi32, #tpu.memory_space<hbm>>) dst(%arg5 : memref<96xi32, #tpu.memory_space<vmem>>)
      tpu.yield
    }) : () -> ()
    %dma_start3A = arith.constant 0 : i32
    %dma_start3A_7 = arith.constant 0 : i32
    %dma_start3A_8 = tpu.memref_slice %arg2[%dma_start3A, %dma_start3A_7] : memref<256x256xf32, #tpu.memory_space<hbm>> -> memref<256x256xf32, #tpu.memory_space<hbm>>
    tpu.enqueue_indirect_dma source(%dma_start3A_8 : memref<256x256xf32, #tpu.memory_space<hbm>>) target(%arg6 : memref<96x256xf32, #tpu.memory_space<vmem>>) offsets(%arg5 : memref<96xi32, #tpu.memory_space<vmem>>) semaphore(%arg7 : memref<!tpu.dma_semaphore, #tpu.memory_space<semaphore_mem>>)
    %dma_wait3A = arith.constant 0 : i32
    %dma_wait3A_9 = arith.constant 0 : i32
    %dma_wait3A_10 = tpu.memref_slice %arg2[%dma_wait3A, %dma_wait3A_9] : memref<256x256xf32, #tpu.memory_space<hbm>> -> memref<256x256xf32, #tpu.memory_space<hbm>>
    tpu.wait_indirect_dma semaphore(%arg7 : memref<!tpu.dma_semaphore, #tpu.memory_space<semaphore_mem>>) src(%dma_wait3A_10 : memref<256x256xf32, #tpu.memory_space<hbm>>) dst(%arg6 : memref<96x256xf32, #tpu.memory_space<vmem>>)
    "tpu.region"() ({
      %run_scoped3A = tpu.sem_alloc : memref<!tpu.dma_semaphore, #tpu.memory_space<semaphore_mem>>
      %dma_start3A_13 = arith.constant 0 : i32
      %dma_start3A_14 = tpu.memref_slice %arg4[%add3A_6, %dma_start3A_13] : memref<3072x256xf32, #tpu.memory_space<hbm>> -> memref<96x256xf32, #tpu.memory_space<hbm>>
      %dma_start3A_15 = arith.constant 0 : i32
      %dma_start3A_16 = tpu.memref_slice %arg4[%add3A_6, %dma_start3A_15] : memref<3072x256xf32, #tpu.memory_space<hbm>> -> memref<96x256xf32, #tpu.memory_space<hbm>>
      tpu.enqueue_dma source(%arg6 : memref<96x256xf32, #tpu.memory_space<vmem>>) target(%dma_start3A_16 : memref<96x256xf32, #tpu.memory_space<hbm>>) target_semaphore(%run_scoped3A : memref<!tpu.dma_semaphore, #tpu.memory_space<semaphore_mem>>)
      %dma_wait3A_17 = arith.constant 0 : i32
      %dma_wait3A_18 = tpu.memref_slice %arg4[%add3A_6, %dma_wait3A_17] : memref<3072x256xf32, #tpu.memory_space<hbm>> -> memref<96x256xf32, #tpu.memory_space<hbm>>
      %dma_wait3A_19 = arith.constant 0 : i32
      %dma_wait3A_20 = tpu.memref_slice %arg4[%add3A_6, %dma_wait3A_19] : memref<3072x256xf32, #tpu.memory_space<hbm>> -> memref<96x256xf32, #tpu.memory_space<hbm>>
      tpu.wait_dma2 semaphore(%run_scoped3A : memref<!tpu.dma_semaphore, #tpu.memory_space<semaphore_mem>>) src(%arg6 : memref<96x256xf32, #tpu.memory_space<vmem>>) dst(%dma_wait3A_20 : memref<96x256xf32, #tpu.memory_space<hbm>>)
      tpu.yield
    }) : () -> ()
    %scan3A_11 = arith.constant 0 : i32
    %scan3A_12 = arith.constant 1 : i32
    return
  }
}

</mosaic_0001>

<sc_bundles>
// kernel: gather_offload_async_start
scs
__scs_entry_jumppad:
0x0: {  	(pc) =	sbr.rel $0x88, $3  }
0x1: {  	(tag) =	ssettag $0x0;
	lr =	simm.s32 $0x1  }
0x2: {  	[smem:$0x3F71] =	sst lr;
	_ =	strace $0xD0000000  }
0x3: {  	_ = 	snop  }
0x4: {  	_ = 	snop  }
0x5: {  	_ = 	snop  }
0x6: {  	_ = 	snop  }
0x7: {  	_ = 	snop  }
__scs_overlays_trampoline_lowered:
0x8: {  	[smem:$0x3F80] =	sst s0  }
0x9: {  	[smem:$0x3F81] =	sst s1  }
0xa: {  	[smem:$0x3F82] =	sst s2  }
0xb: {  	[smem:$0x3F83] =	sst s3  }
0xc: {  	[smem:$0x3F84] =	sst s4  }
0xd: {  	[smem:$0x3F85] =	sst s5  }
0xe: {  	[smem:$0x3F86] =	sst s6  }
0xf: {  	[smem:$0x3F87] =	sst s7  }
0x10: {  	[smem:$0x3F88] =	sst s8  }
0x11: {  	[smem:$0x3F89] =	sst s9;
	s0 =	simm.s32 @!p0 $0x0  }
0x12: {  	s1 =	sld [smem:$0x3F6F];
	s0 =	simm.s32 @p0 $0x1  }
0x13: {  	[smem:$0x3F8A] =	sst s0;
	s0 =	simm.s32 @!p1 $0x0  }
0x14: {  	s2 =	sld [smem:$0x3F6E];
	s0 =	simm.s32 @p1 $0x1  }
0x15: {  	[smem:$0x3F8B] =	sst s0;
	s0 =	simm.s32 @!p2 $0x0  }
0x16: {  	s3 =	sld [smem:$0x3FDB];
	s0 =	simm.s32 @p2 $0x1  }
0x17: {  	s4 =	simm.s32 $0x1BF5;
	[smem:$0x3F8D] =	sst s0  }
0x18: {  	s0 =	sld [smem:$0x3F70];
	_ =	swait.ge [sflag:s4], $0x0  }
0x19: {  	s7 =	sld [smem:$0x3F71]  }
0x1a: {  	s8 =	sadd.s32 $0xFFFFE003, lr  }
0x1b: {  	s9 =	sadd.s32 $0xFFFFFEF7, lr;
	s5 =	simm.s32 $0xFFFFFFFF;
	p2 =	slt.u32 s8, $0xFFFFF086  }
0x1c: {  	p1 =	slt.u32 s9, $0xF7A;
	s5 =	simm.s32 @!p2 $0x0  }
0x1d: {  	s5 =	simm.s32 @p1 $0x1;
	p0 =	seq.s32 s7, s2  }
0x1e: {  	s7 =	smul.u32 @!p0 $0xF7A, s2;
	p2 =	seq.s32 @!p0 s5, $0x0  }
0x1f: {  	s9 =	smul.u32 $0xF7A, s1;
	s8 =	simm.s32 @!p0 $0x1BF5;
	p2 =	por !p2, p0  }
0x20: {  	[sflag:s8] =	ssyncset.s32 @!p0 $0xFFFFF086;
	s6 =	sadd.s32 @!p0 s3, s7;
	s7 =	simm.s32 @!p0 $0x108  }
0x21: {  	s3 =	sadd.s32 s3, s9;
	s6 =	sadd.s32 @!p0 $0x88, s6;
	s7 =	simm.s32 @p2 $0x1082  }
0x22: {  	[simem:s7], [sflag:s8] =	dma.local @!p0 [hbm:s6], $0xF7A  }
0x23: {  	s9 =	sor.u32 $0xD0000000, s2;
	s6 =	simm.s32 $0x108;
	_ =	swait.ge @!p0 [sflag:s8], $0x0  }
0x24: {  	s3 =	sadd.s32 $0x88, s3;
	s6 =	simm.s32 @!p1 $0x1082;
	[sflag:s4] =	ssyncset.s32 $0xFFFFF086  }
0x25: {  	[simem:s6], [sflag:s4] =	dma.local [hbm:s3], $0xF7A  }
0x26: {  	[smem:$0x3F71] =	sst s1;
	(tag) =	ssettag s2;
	_ =	strace s9  }
0x27: {  	s1 =	sld [smem:$0x3F81]  }
0x28: {  	s2 =	sld [smem:$0x3F82]  }
0x29: {  	s4 =	sld [smem:$0x3F84]  }
0x2a: {  	p0 =	seq.s32 s5, $0x0;
	s5 =	sld [smem:$0x3F85]  }
0x2b: {  	s6 =	sld [smem:$0x3F86]  }
0x2c: {  	s7 =	sld [smem:$0x3F87]  }
0x2d: {  	s3 =	simm.s32 $0x108;
	s8 =	sld [smem:$0x3F88]  }
0x2e: {  	s3 =	simm.s32 @!p0 $0x1082;
	s9 =	sld [smem:$0x3F89]  }
0x2f: {  	lr =	sadd.s32 s0, s3;
	s0 =	sld [smem:$0x3F80]  }
0x30: {  	s3 =	sld [smem:$0x3F83]  }
0x31: {  	[smem:$0x3F8C] =	sst s10  }
0x32: {  	s10 =	sld [smem:$0x3F8A];
	_ =	sdelay $0x3  }
0x33: {  	p0 =	seq.s32 s10, $0x1;
	s10 =	sld [smem:$0x3F8C];
	_ =	sdelay $0x3  }
0x34: {  	[smem:$0x3F8C] =	sst s10  }
0x35: {  	s10 =	sld [smem:$0x3F8B];
	_ =	sdelay $0x3  }
0x36: {  	p1 =	seq.s32 s10, $0x1;
	s10 =	sld [smem:$0x3F8C];
	_ =	sdelay $0x3  }
0x37: {  	[smem:$0x3F8C] =	sst s10  }
0x38: {  	s10 =	sld [smem:$0x3F8D]  }
0x39: {  	_ = 	snop;
	(pc) =	sbr.ind lr, $3  }
0x3a: {  	_ = 	snop  }
0x3b: {  	_ = 	snop  }
0x3c: {  	p2 =	seq.s32 s10, $0x1;
	s10 =	sld [smem:$0x3F8C]  }
0x3d: {  	_ =	shalt  }
0x3e: {  	_ =	shalt  }
0x3f: {  	_ =	shalt  }
0x40: {  	_ =	shalt  }
0x41: {  	_ =	shalt  }
0x42: {  	_ =	shalt  }
0x43: {  	_ =	shalt  }
0x44: {  	_ =	shalt  }
0x45: {  	_ =	shalt  }
0x46: {  	_ =	shalt  }
0x47: {  	_ =	shalt  }
0x48: {  	_ =	shalt  }
0x49: {  	_ =	shalt  }
0x4a: {  	_ =	shalt  }
0x4b: {  	_ =	shalt  }
0x4c: {  	_ =	shalt  }
0x4d: {  	_ =	shalt  }
0x4e: {  	_ =	shalt  }
0x4f: {  	_ =	shalt  }
0x50: {  	_ =	shalt  }
0x51: {  	_ =	shalt  }
0x52: {  	_ =	shalt  }
0x53: {  	_ =	shalt  }
0x54: {  	_ =	shalt  }
0x55: {  	_ =	shalt  }
0x56: {  	_ =	shalt  }
0x57: {  	_ =	shalt  }
0x58: {  	_ =	shalt  }
0x59: {  	_ =	shalt  }
0x5a: {  	_ =	shalt  }
0x5b: {  	_ =	shalt  }
0x5c: {  	_ =	shalt  }
0x5d: {  	_ =	shalt  }
0x5e: {  	_ =	shalt  }
0x5f: {  	_ =	shalt  }
0x60: {  	_ =	shalt  }
0x61: {  	_ =	shalt  }
0x62: {  	_ =	shalt  }
0x63: {  	_ =	shalt  }
0x64: {  	_ =	shalt  }
0x65: {  	_ =	shalt  }
0x66: {  	_ =	shalt  }
0x67: {  	_ =	shalt  }
0x68: {  	_ =	shalt  }
0x69: {  	_ =	shalt  }
0x6a: {  	_ =	shalt  }
0x6b: {  	_ =	shalt  }
0x6c: {  	_ =	shalt  }
0x6d: {  	_ =	shalt  }
0x6e: {  	_ =	shalt  }
0x6f: {  	_ =	shalt  }
0x70: {  	_ =	shalt  }
0x71: {  	_ =	shalt  }
0x72: {  	_ =	shalt  }
0x73: {  	_ =	shalt  }
0x74: {  	_ =	shalt  }
0x75: {  	_ =	shalt  }
0x76: {  	_ =	shalt  }
0x77: {  	_ =	shalt  }
0x78: {  	_ =	shalt  }
0x79: {  	_ =	shalt  }
0x7a: {  	_ =	shalt  }
0x7b: {  	_ =	shalt  }
0x7c: {  	_ =	shalt  }
0x7d: {  	_ =	shalt  }
0x7e: {  	_ =	shalt  }
0x7f: {  	_ =	shalt  }
0x80: {  	_ =	shalt  }
0x81: {  	_ =	shalt  }
0x82: {  	_ =	shalt  }
0x83: {  	_ =	shalt  }
0x84: {  	_ =	shalt  }
0x85: {  	_ =	shalt  }
0x86: {  	_ =	shalt  }
0x87: {  	_ =	shalt  }
.Lfunc_end0:
.L_simem_size_0:
called_computation_lowered:
.L_overlay_start_0:
0x88: {  	s2 =	sld [smem:$0x3FD9]  }
0x89: {  	s3 =	sld [smem:$0x3FFE];
	_ =	sdelay $0x1  }
0x8a: {  	s1 =	srdreg.scid  }
0x8b: {  	s0 =	sand.u32 $0x1, s1  }
0x8c: {  	s16 =	sshll.u32 s0, $0xA;
	s2 =	sadd.s32 s3, s2  }
0x8d: {  	s2 =	sadd.s32 s2, s16  }
0x8e: {  	[smem:$0x3F98] =	sst s2  }
0x8f: {  	_ = 	snop  }
0x90: {  	(tm) =	ssettm $0x1  }
0x91: {  	s17 =	sld [smem:$0x3FFB];
	_ =	sdelay $0x3  }
0x92: {  	_ =	strace s17  }
0x93: {  	s2 =	sld [smem:$0x3FFC];
	_ =	sdelay $0x3  }
0x94: {  	_ =	strace s2  }
0x95: {  	s2 =	sld [smem:$0x3FFD];
	_ =	sdelay $0x3  }
0x96: {  	_ =	strace s2  }
0x97: {  	_ =	strace $0x8FFFFFFF  }
0x98: {  	s18 =	sld [smem:$0x3FDB];
	_ =	sdelay $0x1  }
0x99: {  	s19 =	simm.s32 $_scs_section_size  }
0x9a: {  	s4 =	simm.s32 $_size__tile_overlayer_lowered;
	s5 =	simm.s32 $_tile_overlayer_lowered  }
0x9b: {  	s22 =	simm.s32 $0x1BFF;
	s21 =	sshll.u32 s5, $0x1;
	s2 =	sadd.s32 s19, s18  }
0x9c: {  	s6 =	simm.s32 $0x0;
	s20 =	sshll.u32 s4, $0x1;
	s4 =	sadd.s32 s21, s2  }
0x9d: {  	[timem:s6], [sflag:s22] =	dma.local [hbm:s4], s20  }
0x9e: {  	_ =	swait.ge [sflag:s22], s20  }
0x9f: {  	s3 =	ssub.s32 $0x0, s20;
	[sflag:s22] =	ssyncset.done $0x0  }
0xa0: {  	[sflag:s22] =	ssyncadd.s32 s3;
	_ =	sdelay $0x1  }
0xa1: {  	s23 =	simm.s32 $0x1B8B  }
0xa2: {  	_ =	swait.ge [sflag:s23], $0x1  }
0xa3: {  	[sflag:s23] =	ssyncset.done $0x0  }
0xa4: {  	s25 =	simm.s32 $0x1B8E;
	s24 =	sld [smem:$0x3FFE];
	[sflag:s23] =	ssyncadd.s32 $0xFFFFFFFF  }
0xa5: {  	s26 =	simm.s32 $execute0_lowered;
	[smem:$0x3FD2] =	sst s25  }
0xa6: {  	s4 =	sshll.u32 s26, $0x1;
	_ =	strace $0x80000046;
	[dreg:$0x1] =	wrdreg $0xFFFFFFFF  }
0xa7: {  	s28 =	simm.s32 $_size_execute0_lowered;
	s2 =	sadd.s32 s2, s4;
	[dreg:$0x0] =	wrdreg $0x0  }
0xa8: {  	s4 =	sshll.u32 s28, $0x1;
	[dreg:$0x2] =	wrdreg s2  }
0xa9: {  	[dreg:$0x3] =	wrdreg s4  }
0xaa: {  	[dreg:$0x4] =	wrdreg $0xC0  }
0xab: {  	_ =	task [dreg:s6], $0x5FFFF  }
0xac: {  	[dreg:$0x1] =	wrdreg $0xFFFFFFFF  }
0xad: {  	[dreg:$0x0] =	wrdreg $0x60  }
0xae: {  	[dreg:$0x2] =	wrdreg s24  }
0xaf: {  	[dreg:$0x3] =	wrdreg $0x9  }
0xb0: {  	_ =	task.clear_ibuf [dreg:s6], $0x4FFFF;
	_ =	strace $0x90000046  }
0xb1: {  	s29 =	simm.s32 $0x9;
	_ =	strace $0x80000048  }
0xb2: {  	_ =	swait.ge [sflag:s29], $0x1  }
0xb3: {  	[sflag:s29] =	ssyncadd.s32 $0xFFFFFFFF  }
0xb4: {  	_ =	strace $0x90000048  }
0xb5: {  	_ =	sfence  }
0xb6: {  	s30 =	sld [smem:$0x0];
	_ =	sdelay $0x2  }
0xb7: {  	s31 =	sshll.u32 s1, $0xD;
	s1 =	sshrl.u32 s1, $0x2  }
0xb8: {  	s3 =	sand.u32 $0x4000, s31;
	s1 =	sadd.s32 s1, s30  }
0xb9: {  	s0 =	sor.u32 s3, s0;
	s1 =	sshll.u32 s1, $0x11  }
0xba: {  	s0 =	sor.u32 s1, s0  }
0xbb: {  	s0 =	sadd.s32 $0x8F2B, s0  }
0xbc: {  	[sflag:s0] =	ssyncadd.remote.s32 $0x1  }
0xbd: {  	_ =	sfence.sel $0xFFFF  }
0xbe: {  	[dreg:$0x0] =	wrdreg $0xFFFFFFFF;
	(pc) =	sbr.abs _section_cstart, $3  }
0xbf: {  	[dreg:$0x1] =	wrdreg $0xFFFFFFFF  }
0xc0: {  	_ =	task.clear_ibuf [dreg:s6], $0x2FFFF;
	_ =	strace $0x9FFFFFFF  }
0xc1: {  	(tm) =	ssettm $0x7FFFFFFF  }
tec
execute0_lowered:
.L_overlay_start_1:
0x0: {  	(tag) =	ssettag $0x1  }
0x1: {  	s7 =	rddreg [dreg:$0x0]  }
0x2: {  	s0 =	rddreg [dreg:$0x1];
	_ =	strace $0x80000047  }
0x3: {  	s1 =	srdreg.scid;
	s4 =	simm.s32 $0x1;
	s9 =	simm.s32 $0x3  }
0x4: {  	s12 =	simm.s32 $0x0;
	s10 =	simm.s32 $0x0;
	s5 =	sshll.u32 s1, $0x4  }
.Ltmp0:
0x5: {  	s1 =	stileid.u32;
	s5 =	sand.u32 $0x10, s5;
	(pc) =	sbr.rel .LBB2_1-.Ltmp0, $4  }
0x6: {  	s2 =	sadd.s32 $0x200, s7;
	s3 =	sadd.s32 $0x40200, s7;
	s6 =	sor.u32 s1, s5  }
0x7: {  	[sflag:s4] =	ssyncpa.u1 $0x0;
	s5 =	simm.s32 $0x2;
	s6 =	sshll.u32 s6, $0x7  }
0x8: {  	s7 =	sadd.s32 $0x4A600, s7;
	[sflag:s5] =	ssyncpa.u1 $0x0;
	s8 =	sadd.s32 $0x80, s6  }
0x9: {  	vm0 =	vmmov $0xff;
	vm1 =	vcmask $0x3F20;
	[sflag:s9] =	ssyncpa.u1 $0x0;
	s9 =	simm.s32 $0x80;
	s11 =	smov.u32 s6  }
.LBB2_9:
0xa: {  	p0 =	seq.s32 s10, $0x2  }
.Ltmp1:
0xb: {  	_ = 	snop;
	(pc) =	sbr.rel @p0 .LBB2_11-.Ltmp1, $1  }
0xc: {  	_ =	sdelay $0x3  }
.LBB2_10:
0xd: {  	s12 =	sadd.s32 $0x80, s11  }
0xe: {  	s13 =	smov.u32 s6;
	p0 =	slt.s32 s12, s8  }
0xf: {  	s13 =	smov.u32 @p0 s12  }
0x10: {  	s10 =	sadd.s32 $0x1, s10;
	s12 =	smov.u32 s11;
	s11 =	smov.u32 s13  }
.LBB2_1:
0x11: {  	p0 =	sne.s32 s10, $0x0  }
.Ltmp2:
0x12: {  	_ = 	snop;
	(pc) =	sbr.rel @!p0 .LBB2_2-.Ltmp2, $1  }
0x13: {  	_ =	sdelay $0x3  }
0x14: {  	s13 =	sand.u32 $0x1, s10  }
0x15: {  	p0 =	seq.s32 s13, $0x0  }
.Ltmp3:
0x16: {  	_ = 	snop;
	(pc) =	sbr.rel @p0 .LBB2_9-.Ltmp3, $1  }
0x17: {  	_ =	sdelay $0x3  }
0x18: {  	_ =	swait.ge [sflag:s5], $0x80  }
0x19: {  	[sflag:s5] =	ssyncset.done $0x0  }
0x1a: {  	s13 =	simm.s32 $0x0;
	[sflag:s5] =	ssyncadd.s32 $0xFFFFFF80  }
0x1b: {  	v0 =	vld.msk [tilespmem:s13+$0x80 ss:$0x1], $0xffff;
	_ =	sdelay $0x4  }
0x1c: {  	vm2 =	vgt.s32 v0, $0x0  }
0x1d: {  	v0 =	vnsel vm2, $0x0, v0  }
0x1e: {  	v0 =	vmin.u32 v0, $0x3FFF  }
0x1f: {  	v0 =	vshll.u32 v0, $0x4;
	_ =	sdelay $0x3  }
0x20: {  	s13 =	simm.s32 $0x4100  }
0x21: {  	[tilespmem:s13], [sflag:$0x1] =	stream.indirect_vreg.gather [hbm:s2], $0x80, v0, vm0, $0x38;
	[tilespmem:$0x8100] =	vst v63  }
0x22: {  	s14 =	simm.s32 $0x4500;
	s31 =	simm.s32 $0x10  }
0x23: {  	[tilespmem:s14], [sflag:$0x1] =	stream.indirect_vreg.gather [hbm:s2], $0x80, v0, vm1, $0x38;
	[tilespmem:$0x8100] =	vst v63  }
0x24: {  	s14 =	simm.s32 $0x80;
	v0 =	vld.msk [tilespmem:s31+$0x80 ss:$0x1], $0xffff  }
.LBB2_5:
0x25: {  	p0 =	sne.s32 s14, $0x1C0;
	_ =	sdelay $0x4  }
0x26: {  	vm2 =	vgt.s32 v0, $0x0  }
0x27: {  	v0 =	vnsel vm2, $0x0, v0  }
0x28: {  	v0 =	vmin.u32 v0, $0x3FFF  }
0x29: {  	v0 =	vshll.u32 v0, $0x4;
	_ =	sdelay $0x3  }
.Ltmp4:
0x2a: {  	s13 =	sadd.s32 $0x800, s13;
	(pc) =	sbr.rel @p0 .LBB2_5-.Ltmp4, $4  }
0x2b: {  	[tilespmem:s13], [sflag:$0x1] =	stream.indirect_vreg.gather [hbm:s2], $0x80, v0, vm0, $0x38;
	[tilespmem:$0x8100] =	vst v63  }
0x2c: {  	s15 =	sshra.s32 s14, $0x2;
	s16 =	sadd.s32 $0x400, s13  }
0x2d: {  	[tilespmem:s16], [sflag:$0x1] =	stream.indirect_vreg.gather [hbm:s2], $0x80, v0, vm1, $0x38;
	[tilespmem:$0x8100] =	vst v63  }
0x2e: {  	s14 =	sadd.s32 $0x40, s14;
	v0 =	vld.msk [tilespmem:s15+$0x80 ss:$0x1], $0xffff  }
0x2f: {  	_ =	sdelay $0x3  }
0x30: {  	vm2 =	vgt.s32 v0, $0x0  }
0x31: {  	v0 =	vnsel vm2, $0x0, v0  }
0x32: {  	v0 =	vmin.u32 v0, $0x3FFF  }
0x33: {  	v0 =	vshll.u32 v0, $0x4;
	_ =	sdelay $0x3  }
0x34: {  	s13 =	sadd.s32 $0x800, s13  }
0x35: {  	[tilespmem:s13], [sflag:$0x1] =	stream.indirect_vreg.gather [hbm:s2], $0x80, v0, vm0, $0x38;
	[tilespmem:$0x8100] =	vst v63  }
0x36: {  	s13 =	sadd.s32 $0x400, s13  }
0x37: {  	[tilespmem:s13], [sflag:$0x1] =	stream.indirect_vreg.gather [hbm:s2], $0x80, v0, vm1, $0x38;
	[tilespmem:$0x8100] =	vst v63  }
0x38: {  	s12 =	sshll.u32 s12, $0x4;
	s14 =	simm.s32 $0x80;
	_ =	swait.ge [sflag:s4], $0x4000  }
0x39: {  	s15 =	simm.s32 $0x4500;
	s12 =	sadd.s32 s12, s7;
	[sflag:s4] =	ssyncset.done $0x0  }
0x3a: {  	s16 =	sadd.s32 $0x0, s12;
	s13 =	simm.s32 $0x4100;
	[sflag:s4] =	ssyncadd.s32 $0xFFFFC000  }
.LBB2_7:
0x3b: {  	[hbm:s16] =	stream.linear.scatter [tilespmem:s13], [sflag:$0x3], $0x400, $0x38;
	[tilespmem:$0x8100] =	vst v63  }
0x3c: {  	s16 =	smov.u32 s14;
	s13 =	smov.u32 s15;
	p0 =	sne.s32 s14, $0x780  }
.Ltmp5:
0x3d: {  	s14 =	sadd.s32 $0x80, s14;
	(pc) =	sbr.rel @p0 .LBB2_7-.Ltmp5, $2  }
0x3e: {  	_ =	sdelay $0x2  }
0x3f: {  	s15 =	sadd.s32 $0x400, s15;
	s16 =	sadd.s32 s16, s12  }
.Ltmp6:
0x40: {  	(pc) =	sbr.rel .LBB2_9-.Ltmp6, $2  }
0x41: {  	_ =	sdelay $0x2  }
0x42: {  	[hbm:s16] =	stream.linear.scatter [tilespmem:s13], [sflag:$0x3], $0x400, $0x38;
	[tilespmem:$0x8100] =	vst v63  }
.LBB2_2:
.Ltmp7:
0x43: {  	(pc) =	sbr.rel .LBB2_10-.Ltmp7, $4  }
0x44: {  	_ = 	snop  }
0x45: {  	s12 =	sshrl.u32 s11, $0x3  }
0x46: {  	s13 =	sand.u32 $0x7, s11;
	s12 =	sadd.s32 s3, s12  }
0x47: {  	[tilespmem:s9], [sflag:$0x2] =	stream.linear.gather [hbm4b:s12+s13], $0x80, $0x38;
	[tilespmem:$0x8100] =	vst v63  }
.LBB2_11:
0x48: {  	s2 =	simm.s32 $0x3  }
0x49: {  	_ =	swait.ge [sflag:s2], $0x4000  }
0x4a: {  	[sflag:s2] =	ssyncset.done $0x0  }
0x4b: {  	[sflag:s2] =	ssyncadd.s32 $0xFFFFC000  }
0x4c: {  	_ =	sfence.sel $0x180000  }
0x4d: {  	s3 =	simm.s32 $0x2;
	[bflag:$0x0] =	sbarrier.arrive $0xFFFF  }
0x4e: {  	[sflag:s3] =	ssyncpa.u1 $0x1  }
0x4f: {  	s31 =	simm.s32 $0x1;
	[sflag:s2] =	ssyncpa.u1 $0x1  }
0x50: {  	[sflag:s31] =	ssyncpa.u1 $0x1  }
0x51: {  	p0 =	sne.s32 s1, $0x0;
	_ =	strace $0x90000047  }
0x52: {  	s0 =	sadd.s32 @!p0 $0x100000, s0;
	[bflag:$0x2] =	sbarrier.arrive $0xFFFF  }
0x53: {  	[sflag:s0] =	ssyncadd.tile.s32 @!p0 $0x1;
	_ =	shalt  }
.Lfunc_end2:
_tile_overlayer_lowered:
.L_overlay_start_2:
0x54: {  	(tag) =	ssettag $0x2  }
0x55: {  	s0 =	rddreg [dreg:$0x0];
	s2 =	stileid.u32  }
0x56: {  	s1 =	rddreg [dreg:$0x1];
	p0 =	sne.s32 s2, $0x0  }
0x57: {  	s3 =	rddreg [dreg:$0x2];
	[bflag:$0x3] =	sbarrier.arrive $0xFFFF;
	s2 =	simm.s32 @!p0 $0x1C01  }
0x58: {  	[timem:s3], [sflag:s2] =	dma.local @!p0 [hbm:s0], s1  }
0x59: {  	s0 =	simm.s32 @!p0 $0x1  }
0x5a: {  	_ =	swait.ge @!p0 [sflag:s0], s1  }
0x5b: {  	s1 =	ssub.s32 @!p0 $0x0, s1;
	[sflag:s0] =	ssyncset.done @!p0 $0x0  }
0x5c: {  	[sflag:s0] =	ssyncadd.s32 @!p0 s1  }
0x5d: {  	[bflag:$0x3] =	sbarrier.arrive $0xFFFF  }
0x5e: {  	_ =	shalt  }

// kernel: kernel.12.cloned.1.call-start
scs
__scs_entry_jumppad:
0x0: {  	(pc) =	sbr.rel $0x88, $3  }
0x1: {  	(tag) =	ssettag $0x0;
	lr =	simm.s32 $0x1  }
0x2: {  	[smem:$0x3F71] =	sst lr;
	_ =	strace $0xD0000000  }
0x3: {  	_ = 	snop  }
0x4: {  	_ = 	snop  }
0x5: {  	_ = 	snop  }
0x6: {  	_ = 	snop  }
0x7: {  	_ = 	snop  }
__scs_overlays_trampoline_lowered:
0x8: {  	[smem:$0x3F80] =	sst s0  }
0x9: {  	[smem:$0x3F81] =	sst s1  }
0xa: {  	[smem:$0x3F82] =	sst s2  }
0xb: {  	[smem:$0x3F83] =	sst s3  }
0xc: {  	[smem:$0x3F84] =	sst s4  }
0xd: {  	[smem:$0x3F85] =	sst s5  }
0xe: {  	[smem:$0x3F86] =	sst s6  }
0xf: {  	[smem:$0x3F87] =	sst s7  }
0x10: {  	[smem:$0x3F88] =	sst s8  }
0x11: {  	[smem:$0x3F89] =	sst s9;
	s0 =	simm.s32 @!p0 $0x0  }
0x12: {  	s1 =	sld [smem:$0x3F6F];
	s0 =	simm.s32 @p0 $0x1  }
0x13: {  	[smem:$0x3F8A] =	sst s0;
	s0 =	simm.s32 @!p1 $0x0  }
0x14: {  	s2 =	sld [smem:$0x3F6E];
	s0 =	simm.s32 @p1 $0x1  }
0x15: {  	[smem:$0x3F8B] =	sst s0;
	s0 =	simm.s32 @!p2 $0x0  }
0x16: {  	s3 =	sld [smem:$0x3FDB];
	s0 =	simm.s32 @p2 $0x1  }
0x17: {  	s4 =	simm.s32 $0x1BF5;
	[smem:$0x3F8D] =	sst s0  }
0x18: {  	s0 =	sld [smem:$0x3F70];
	_ =	swait.ge [sflag:s4], $0x0  }
0x19: {  	s7 =	sld [smem:$0x3F71]  }
0x1a: {  	s8 =	sadd.s32 $0xFFFFE003, lr  }
0x1b: {  	s9 =	sadd.s32 $0xFFFFFEF7, lr;
	s5 =	simm.s32 $0xFFFFFFFF;
	p2 =	slt.u32 s8, $0xFFFFF086  }
0x1c: {  	p1 =	slt.u32 s9, $0xF7A;
	s5 =	simm.s32 @!p2 $0x0  }
0x1d: {  	s5 =	simm.s32 @p1 $0x1;
	p0 =	seq.s32 s7, s2  }
0x1e: {  	s7 =	smul.u32 @!p0 $0xF7A, s2;
	p2 =	seq.s32 @!p0 s5, $0x0  }
0x1f: {  	s9 =	smul.u32 $0xF7A, s1;
	s8 =	simm.s32 @!p0 $0x1BF5;
	p2 =	por !p2, p0  }
0x20: {  	[sflag:s8] =	ssyncset.s32 @!p0 $0xFFFFF086;
	s6 =	sadd.s32 @!p0 s3, s7;
	s7 =	simm.s32 @!p0 $0x108  }
0x21: {  	s3 =	sadd.s32 s3, s9;
	s6 =	sadd.s32 @!p0 $0x88, s6;
	s7 =	simm.s32 @p2 $0x1082  }
0x22: {  	[simem:s7], [sflag:s8] =	dma.local @!p0 [hbm:s6], $0xF7A  }
0x23: {  	s9 =	sor.u32 $0xD0000000, s2;
	s6 =	simm.s32 $0x108;
	_ =	swait.ge @!p0 [sflag:s8], $0x0  }
0x24: {  	s3 =	sadd.s32 $0x88, s3;
	s6 =	simm.s32 @!p1 $0x1082;
	[sflag:s4] =	ssyncset.s32 $0xFFFFF086  }
0x25: {  	[simem:s6], [sflag:s4] =	dma.local [hbm:s3], $0xF7A  }
0x26: {  	[smem:$0x3F71] =	sst s1;
	(tag) =	ssettag s2;
	_ =	strace s9  }
0x27: {  	s1 =	sld [smem:$0x3F81]  }
0x28: {  	s2 =	sld [smem:$0x3F82]  }
0x29: {  	s4 =	sld [smem:$0x3F84]  }
0x2a: {  	p0 =	seq.s32 s5, $0x0;
	s5 =	sld [smem:$0x3F85]  }
0x2b: {  	s6 =	sld [smem:$0x3F86]  }
0x2c: {  	s7 =	sld [smem:$0x3F87]  }
0x2d: {  	s3 =	simm.s32 $0x108;
	s8 =	sld [smem:$0x3F88]  }
0x2e: {  	s3 =	simm.s32 @!p0 $0x1082;
	s9 =	sld [smem:$0x3F89]  }
0x2f: {  	lr =	sadd.s32 s0, s3;
	s0 =	sld [smem:$0x3F80]  }
0x30: {  	s3 =	sld [smem:$0x3F83]  }
0x31: {  	[smem:$0x3F8C] =	sst s10  }
0x32: {  	s10 =	sld [smem:$0x3F8A];
	_ =	sdelay $0x3  }
0x33: {  	p0 =	seq.s32 s10, $0x1;
	s10 =	sld [smem:$0x3F8C];
	_ =	sdelay $0x3  }
0x34: {  	[smem:$0x3F8C] =	sst s10  }
0x35: {  	s10 =	sld [smem:$0x3F8B];
	_ =	sdelay $0x3  }
0x36: {  	p1 =	seq.s32 s10, $0x1;
	s10 =	sld [smem:$0x3F8C];
	_ =	sdelay $0x3  }
0x37: {  	[smem:$0x3F8C] =	sst s10  }
0x38: {  	s10 =	sld [smem:$0x3F8D]  }
0x39: {  	_ = 	snop;
	(pc) =	sbr.ind lr, $3  }
0x3a: {  	_ = 	snop  }
0x3b: {  	_ = 	snop  }
0x3c: {  	p2 =	seq.s32 s10, $0x1;
	s10 =	sld [smem:$0x3F8C]  }
0x3d: {  	_ =	shalt  }
0x3e: {  	_ =	shalt  }
0x3f: {  	_ =	shalt  }
0x40: {  	_ =	shalt  }
0x41: {  	_ =	shalt  }
0x42: {  	_ =	shalt  }
0x43: {  	_ =	shalt  }
0x44: {  	_ =	shalt  }
0x45: {  	_ =	shalt  }
0x46: {  	_ =	shalt  }
0x47: {  	_ =	shalt  }
0x48: {  	_ =	shalt  }
0x49: {  	_ =	shalt  }
0x4a: {  	_ =	shalt  }
0x4b: {  	_ =	shalt  }
0x4c: {  	_ =	shalt  }
0x4d: {  	_ =	shalt  }
0x4e: {  	_ =	shalt  }
0x4f: {  	_ =	shalt  }
0x50: {  	_ =	shalt  }
0x51: {  	_ =	shalt  }
0x52: {  	_ =	shalt  }
0x53: {  	_ =	shalt  }
0x54: {  	_ =	shalt  }
0x55: {  	_ =	shalt  }
0x56: {  	_ =	shalt  }
0x57: {  	_ =	shalt  }
0x58: {  	_ =	shalt  }
0x59: {  	_ =	shalt  }
0x5a: {  	_ =	shalt  }
0x5b: {  	_ =	shalt  }
0x5c: {  	_ =	shalt  }
0x5d: {  	_ =	shalt  }
0x5e: {  	_ =	shalt  }
0x5f: {  	_ =	shalt  }
0x60: {  	_ =	shalt  }
0x61: {  	_ =	shalt  }
0x62: {  	_ =	shalt  }
0x63: {  	_ =	shalt  }
0x64: {  	_ =	shalt  }
0x65: {  	_ =	shalt  }
0x66: {  	_ =	shalt  }
0x67: {  	_ =	shalt  }
0x68: {  	_ =	shalt  }
0x69: {  	_ =	shalt  }
0x6a: {  	_ =	shalt  }
0x6b: {  	_ =	shalt  }
0x6c: {  	_ =	shalt  }
0x6d: {  	_ =	shalt  }
0x6e: {  	_ =	shalt  }
0x6f: {  	_ =	shalt  }
0x70: {  	_ =	shalt  }
0x71: {  	_ =	shalt  }
0x72: {  	_ =	shalt  }
0x73: {  	_ =	shalt  }
0x74: {  	_ =	shalt  }
0x75: {  	_ =	shalt  }
0x76: {  	_ =	shalt  }
0x77: {  	_ =	shalt  }
0x78: {  	_ =	shalt  }
0x79: {  	_ =	shalt  }
0x7a: {  	_ =	shalt  }
0x7b: {  	_ =	shalt  }
0x7c: {  	_ =	shalt  }
0x7d: {  	_ =	shalt  }
0x7e: {  	_ =	shalt  }
0x7f: {  	_ =	shalt  }
0x80: {  	_ =	shalt  }
0x81: {  	_ =	shalt  }
0x82: {  	_ =	shalt  }
0x83: {  	_ =	shalt  }
0x84: {  	_ =	shalt  }
0x85: {  	_ =	shalt  }
0x86: {  	_ =	shalt  }
0x87: {  	_ =	shalt  }
.Lfunc_end0:
.L_simem_size_0:
called_computation.3_lowered:
.L_overlay_start_0:
0x88: {  	s2 =	sld [smem:$0x3FD9]  }
0x89: {  	s3 =	sld [smem:$0x3FFE];
	_ =	sdelay $0x1  }
0x8a: {  	s1 =	srdreg.scid  }
0x8b: {  	s0 =	sand.u32 $0x1, s1  }
0x8c: {  	s17 =	sshll.u32 s0, $0xA;
	s2 =	sadd.s32 s3, s2  }
0x8d: {  	s2 =	sadd.s32 s2, s17  }
0x8e: {  	[smem:$0x3F98] =	sst s2  }
0x8f: {  	_ = 	snop  }
0x90: {  	s2 =	sld [smem:$0x3FD0];
	(tm) =	ssettm $0x1  }
0x91: {  	s18 =	sld [smem:$0x3FFB];
	_ =	sdelay $0x3  }
0x92: {  	_ =	strace s18  }
0x93: {  	s3 =	sld [smem:$0x3FFC];
	_ =	sdelay $0x3  }
0x94: {  	_ =	strace s3  }
0x95: {  	s3 =	sld [smem:$0x3FFD];
	_ =	sdelay $0x3  }
0x96: {  	_ =	strace s3  }
0x97: {  	_ =	strace $0x8FFFFFFF  }
0x98: {  	s19 =	sld [smem:$0x3FDB];
	_ =	sdelay $0x1  }
0x99: {  	s4 =	simm.s32 $_scs_section_size  }
0x9a: {  	s5 =	simm.s32 $_size__tile_overlayer_lowered;
	s6 =	simm.s32 $_tile_overlayer_lowered  }
0x9b: {  	s22 =	simm.s32 $0x1BFF;
	s21 =	sshll.u32 s6, $0x1;
	s3 =	sadd.s32 s4, s19  }
0x9c: {  	s7 =	simm.s32 $0x0;
	s20 =	sshll.u32 s5, $0x1;
	s5 =	sadd.s32 s21, s3  }
0x9d: {  	[timem:s7], [sflag:s22] =	dma.local [hbm:s5], s20  }
0x9e: {  	_ =	swait.ge [sflag:s22], s20  }
0x9f: {  	s4 =	ssub.s32 $0x0, s20;
	[sflag:s22] =	ssyncset.done $0x0  }
0xa0: {  	[sflag:s22] =	ssyncadd.s32 s4;
	_ =	sdelay $0x1  }
0xa1: {  	s23 =	simm.s32 $0x1B8B  }
0xa2: {  	_ =	swait.ge [sflag:s23], $0x1  }
0xa3: {  	[sflag:s23] =	ssyncset.done $0x0  }
0xa4: {  	s25 =	simm.s32 $0x1B8E;
	s24 =	sld [smem:$0x3FFE];
	[sflag:s23] =	ssyncadd.s32 $0xFFFFFFFF  }
0xa5: {  	s26 =	simm.s32 $execute0_lowered;
	[smem:$0x3FD2] =	sst s25  }
0xa6: {  	s5 =	sshll.u32 s26, $0x1;
	_ =	strace $0x8000004F;
	[dreg:$0x1] =	wrdreg $0xFFFFFFFF  }
0xa7: {  	s28 =	simm.s32 $_size_execute0_lowered;
	s3 =	sadd.s32 s3, s5;
	[dreg:$0x0] =	wrdreg $0x0  }
0xa8: {  	s5 =	sshll.u32 s28, $0x1;
	[dreg:$0x2] =	wrdreg s3  }
0xa9: {  	[dreg:$0x3] =	wrdreg s5  }
0xaa: {  	[dreg:$0x4] =	wrdreg $0xC0  }
0xab: {  	_ =	task [dreg:s7], $0x5FFFF  }
0xac: {  	[dreg:$0x1] =	wrdreg $0xFFFFFFFF  }
0xad: {  	[dreg:$0x0] =	wrdreg $0x60  }
0xae: {  	[dreg:$0x2] =	wrdreg s2  }
0xaf: {  	[dreg:$0x3] =	wrdreg s24  }
0xb0: {  	[dreg:$0x4] =	wrdreg $0x9  }
0xb1: {  	_ =	task.clear_ibuf [dreg:s7], $0x5FFFF;
	_ =	strace $0x9000004F  }
0xb2: {  	s29 =	simm.s32 $0x9;
	_ =	strace $0x80000051  }
0xb3: {  	_ =	swait.ge [sflag:s29], $0x1  }
0xb4: {  	[sflag:s29] =	ssyncadd.s32 $0xFFFFFFFF  }
0xb5: {  	_ =	strace $0x90000051  }
0xb6: {  	_ =	sfence  }
0xb7: {  	s30 =	sld [smem:$0x0];
	_ =	sdelay $0x2  }
0xb8: {  	s31 =	sshll.u32 s1, $0xD;
	s1 =	sshrl.u32 s1, $0x2  }
0xb9: {  	s3 =	sand.u32 $0x4000, s31;
	s1 =	sadd.s32 s1, s30  }
0xba: {  	s0 =	sor.u32 s3, s0;
	s1 =	sshll.u32 s1, $0x11  }
0xbb: {  	s0 =	sor.u32 s1, s0  }
0xbc: {  	s0 =	sadd.s32 $0x8F2B, s0  }
0xbd: {  	[sflag:s0] =	ssyncadd.remote.s32 $0x1  }
0xbe: {  	_ =	sfence.sel $0xFFFF  }
0xbf: {  	[dreg:$0x0] =	wrdreg $0xFFFFFFFF;
	(pc) =	sbr.abs _section_cstart, $3  }
0xc0: {  	[dreg:$0x1] =	wrdreg $0xFFFFFFFF  }
0xc1: {  	_ =	task.clear_ibuf [dreg:s7], $0x2FFFF;
	_ =	strace $0x9FFFFFFF  }
0xc2: {  	(tm) =	ssettm $0x7FFFFFFF  }
0xc3: {  	_ =	shalt  }
tec
execute0_lowered:
.L_overlay_start_1:
0x0: {  	(tag) =	ssettag $0x1  }
0x1: {  	s1 =	srdreg.scid;
	s0 =	stileid.u32  }
0x2: {  	s2 =	rddreg [dreg:$0x0];
	s1 =	sand.u32 $0x1, s1;
	s3 =	sshll.u32 s0, $0x1  }
0x3: {  	s5 =	rddreg [dreg:$0x1];
	s4 =	sor.u32 s1, s3;
	s3 =	simm.s32 $0x0  }
0x4: {  	s26 =	simm.s32 $0x980;
	[smem:$0x7FF] =	sst s3  }
0x5: {  	s0 =	simm.s32 $0x1180;
	_ =	strace $0x80000050;
	[dreg:$0x5] =	wrdreg s26  }
0x6: {  	s7 =	simm.s32 $0x2980;
	[dreg:$0x6] =	wrdreg s0  }
0x7: {  	s8 =	simm.s32 $0x3180;
	[dreg:$0x9] =	wrdreg s7  }
0x8: {  	s9 =	simm.s32 $0x3980;
	[dreg:$0xa] =	wrdreg s8  }
0x9: {  	s10 =	simm.s32 $0x4180;
	[dreg:$0xb] =	wrdreg s9  }
0xa: {  	s11 =	simm.s32 $0x4980;
	[dreg:$0xc] =	wrdreg s10  }
0xb: {  	s12 =	simm.s32 $0x5180;
	[dreg:$0xd] =	wrdreg s11  }
0xc: {  	s13 =	simm.s32 $0x5980;
	[dreg:$0xe] =	wrdreg s12  }
0xd: {  	s14 =	simm.s32 $0x6180;
	[dreg:$0xf] =	wrdreg s13  }
0xe: {  	s15 =	simm.s32 $0x6980;
	[dreg:$0x10] =	wrdreg s14  }
0xf: {  	s16 =	simm.s32 $0x7180;
	s17 =	simm.s32 $0x7980;
	[dreg:$0x11] =	wrdreg s15  }
0x10: {  	s18 =	simm.s32 $0x8180;
	s19 =	simm.s32 $0x8980;
	[dreg:$0x12] =	wrdreg s16  }
0x11: {  	s20 =	simm.s32 $0x9180;
	s21 =	simm.s32 $0x9980;
	[dreg:$0x13] =	wrdreg s17  }
0x12: {  	s23 =	simm.s32 $0xA180;
	s24 =	simm.s32 $0xA980;
	[dreg:$0x14] =	wrdreg s18  }
0x13: {  	s28 =	simm.s32 $0x16180;
	s29 =	simm.s32 $0x16980;
	[dreg:$0x15] =	wrdreg s19  }
0x14: {  	s30 =	simm.s32 $0x17180;
	s31 =	simm.s32 $0x17980;
	[dreg:$0x16] =	wrdreg s20  }
0x15: {  	s1 =	ssub.s32 $0x2, s1;
	s6 =	smul.u32 $0x30, s4;
	[dreg:$0x17] =	wrdreg s21  }
0x16: {  	s4 =	smul.u32 $0x3000, s4;
	s22 =	sshrl.u32 s1, $0x1;
	[dreg:$0x18] =	wrdreg s23  }
0x17: {  	s1 =	ssub.s32 s1, s22;
	[dreg:$0x19] =	wrdreg s24;
	s26 =	simm.s32 $0xB980  }
0x18: {  	s8 =	simm.s32 $0xC980;
	s9 =	simm.s32 $0xD180;
	s10 =	simm.s32 $0xD980  }
0x19: {  	s11 =	simm.s32 $0xE180;
	s12 =	simm.s32 $0xE980;
	s13 =	simm.s32 $0xF180  }
0x1a: {  	s14 =	simm.s32 $0xF980;
	s15 =	simm.s32 $0x10180;
	s16 =	simm.s32 $0x10980  }
0x1b: {  	s17 =	simm.s32 $0x11180;
	s18 =	simm.s32 $0x11980;
	s19 =	simm.s32 $0x12180  }
0x1c: {  	s20 =	simm.s32 $0x12980;
	s21 =	simm.s32 $0x13180;
	s6 =	sadd.s32 s6, s5  }
0x1d: {  	s4 =	sadd.s32 s4, s5;
	s5 =	simm.s32 $0x1980;
	[dreg:$0x1b] =	wrdreg s26  }
0x1e: {  	s22 =	simm.s32 $0x13980;
	s25 =	sadd.s32 $0x7B000, s6;
	[dreg:$0x7] =	wrdreg s5  }
0x1f: {  	s23 =	simm.s32 $0x14180;
	s4 =	sadd.s32 $0x87CA00, s4;
	[dreg:$0x3] =	wrdreg s25  }
0x20: {  	s24 =	simm.s32 $0x14980;
	s6 =	simm.s32 $0x2180;
	[dreg:$0x4] =	wrdreg s4  }
0x21: {  	v2 =	vlaneseq.u32;
	s26 =	simm.s32 $0x15980;
	s5 =	simm.s32 $0x2;
	[dreg:$0x8] =	wrdreg s6  }
0x22: {  	vm0 =	vmmov $0xffff;
	v1 =	vshrl.u32 v2, $0x3;
	s4 =	smax.u32 s1, $0x1;
	s25 =	simm.s32 $0xB180;
	s6 =	simm.s32 $0x180  }
0x23: {  	v0 =	vand.u32 $0x7, v2;
	v2 =	vor.u32 $0x8, v2;
	v1 =	vmul.u32 $0x8, v1;
	s1 =	simm.s32 $0x1;
	[dreg:$0x1a] =	wrdreg s25;
	s25 =	simm.s32 $0x15180  }
.LBB2_1:
0x24: {  	s0 =	rddreg [dreg:$0x3]  }
0x25: {  	[tilespmem:s3], [sflag:$0x2] =	stream.linear.gather [hbm4b:s0+s3], $0x180, $0x38;
	[tilespmem:$0x18180] =	vst v63  }
0x26: {  	_ =	swait.ge [sflag:s5], $0x180  }
0x27: {  	[sflag:s5] =	ssyncset.done $0x0  }
0x28: {  	[sflag:s5] =	ssyncadd.s32 $0xFFFFFE80  }
0x29: {  	v3 =	vld [tilespmem:$0x0];
	_ =	sdelay $0x4  }
0x2a: {  	v4 =	vshll.u32 v3, $0x1  }
0x2b: {  	v3 =	vand.u32 $0x7, v3;
	v4 =	vand.u32 $0xFFFFFFF0, v4  }
0x2c: {  	v3 =	vor.u32 v3, v4  }
0x2d: {  	v4 =	vperm.xlane v3, v0;
	_ =	sdelay $0x1  }
0x2e: {  	v3 =	vperm.xlane v3, v2;
	v4 =	vadd.s32 v1, v4;
	_ =	sdelay $0x1  }
0x2f: {  	v3 =	vadd.s32 v1, v3;
	_ =	sdelay $0x2  }
0x30: {  	[tilespmem:s6], [sflag:$0x1] =	stream.indirect_vreg.gather [hbm4b:s2+s3], $0x80, v4, vm0, $0xb8;
	[tilespmem:$0x18180] =	vst v63  }
0x31: {  	s7 =	rddreg [dreg:$0x5]  }
0x32: {  	[tilespmem:s7], [sflag:$0x1] =	stream.indirect_vreg.gather [hbm4b:s2+s3], $0x80, v3, vm0, $0xb8;
	[tilespmem:$0x18180] =	vst v63  }
0x33: {  	v3 =	vld [tilespmem:$0x10];
	_ =	sdelay $0x4  }
0x34: {  	v41 =	vshll.u32 v3, $0x1  }
0x35: {  	v3 =	vand.u32 $0x7, v3;
	v4 =	vand.u32 $0xFFFFFFF0, v41  }
0x36: {  	v3 =	vor.u32 v3, v4  }
0x37: {  	v4 =	vperm.xlane v3, v0;
	_ =	sdelay $0x1  }
0x38: {  	v3 =	vperm.xlane v3, v2;
	v4 =	vadd.s32 v1, v4;
	_ =	sdelay $0x1  }
0x39: {  	v3 =	vadd.s32 v1, v3;
	_ =	sdelay $0x1  }
0x3a: {  	s0 =	rddreg [dreg:$0x6]  }
0x3b: {  	[tilespmem:s0], [sflag:$0x1] =	stream.indirect_vreg.gather [hbm4b:s2+s3], $0x80, v4, vm0, $0xb8;
	[tilespmem:$0x18180] =	vst v63  }
0x3c: {  	s7 =	rddreg [dreg:$0x7]  }
0x3d: {  	[tilespmem:s7], [sflag:$0x1] =	stream.indirect_vreg.gather [hbm4b:s2+s3], $0x80, v3, vm0, $0xb8;
	[tilespmem:$0x18180] =	vst v63  }
0x3e: {  	v3 =	vld [tilespmem:$0x20];
	_ =	sdelay $0x4  }
0x3f: {  	v42 =	vshll.u32 v3, $0x1  }
0x40: {  	v3 =	vand.u32 $0x7, v3;
	v4 =	vand.u32 $0xFFFFFFF0, v42  }
0x41: {  	v3 =	vor.u32 v3, v4  }
0x42: {  	v4 =	vperm.xlane v3, v0;
	_ =	sdelay $0x1  }
0x43: {  	v3 =	vperm.xlane v3, v2;
	v4 =	vadd.s32 v1, v4;
	_ =	sdelay $0x1  }
0x44: {  	v3 =	vadd.s32 v1, v3;
	_ =	sdelay $0x1  }
0x45: {  	s0 =	rddreg [dreg:$0x8]  }
0x46: {  	[tilespmem:s0], [sflag:$0x1] =	stream.indirect_vreg.gather [hbm4b:s2+s3], $0x80, v4, vm0, $0xb8;
	[tilespmem:$0x18180] =	vst v63  }
0x47: {  	s7 =	rddreg [dreg:$0x9]  }
0x48: {  	[tilespmem:s7], [sflag:$0x1] =	stream.indirect_vreg.gather [hbm4b:s2+s3], $0x80, v3, vm0, $0xb8;
	[tilespmem:$0x18180] =	vst v63  }
0x49: {  	v3 =	vld [tilespmem:$0x30];
	_ =	sdelay $0x4  }
0x4a: {  	v43 =	vshll.u32 v3, $0x1  }
0x4b: {  	v3 =	vand.u32 $0x7, v3;
	v4 =	vand.u32 $0xFFFFFFF0, v43  }
0x4c: {  	v3 =	vor.u32 v3, v4  }
0x4d: {  	v4 =	vperm.xlane v3, v0;
	_ =	sdelay $0x1  }
0x4e: {  	v3 =	vperm.xlane v3, v2;
	v4 =	vadd.s32 v1, v4;
	_ =	sdelay $0x1  }
0x4f: {  	v3 =	vadd.s32 v1, v3;
	_ =	sdelay $0x1  }
0x50: {  	s0 =	rddreg [dreg:$0xa]  }
0x51: {  	[tilespmem:s0], [sflag:$0x1] =	stream.indirect_vreg.gather [hbm4b:s2+s3], $0x80, v4, vm0, $0xb8;
	[tilespmem:$0x18180] =	vst v63  }
0x52: {  	s7 =	rddreg [dreg:$0xb]  }
0x53: {  	[tilespmem:s7], [sflag:$0x1] =	stream.indirect_vreg.gather [hbm4b:s2+s3], $0x80, v3, vm0, $0xb8;
	[tilespmem:$0x18180] =	vst v63  }
0x54: {  	v3 =	vld [tilespmem:$0x40];
	_ =	sdelay $0x4  }
0x55: {  	v44 =	vshll.u32 v3, $0x1  }
0x56: {  	v3 =	vand.u32 $0x7, v3;
	v4 =	vand.u32 $0xFFFFFFF0, v44  }
0x57: {  	v3 =	vor.u32 v3, v4  }
0x58: {  	v4 =	vperm.xlane v3, v0;
	_ =	sdelay $0x1  }
0x59: {  	v3 =	vperm.xlane v3, v2;
	v4 =	vadd.s32 v1, v4;
	_ =	sdelay $0x1  }
0x5a: {  	v3 =	vadd.s32 v1, v3;
	_ =	sdelay $0x1  }
0x5b: {  	s0 =	rddreg [dreg:$0xc]  }
0x5c: {  	[tilespmem:s0], [sflag:$0x1] =	stream.indirect_vreg.gather [hbm4b:s2+s3], $0x80, v4, vm0, $0xb8;
	[tilespmem:$0x18180] =	vst v63  }
0x5d: {  	s7 =	rddreg [dreg:$0xd]  }
0x5e: {  	[tilespmem:s7], [sflag:$0x1] =	stream.indirect_vreg.gather [hbm4b:s2+s3], $0x80, v3, vm0, $0xb8;
	[tilespmem:$0x18180] =	vst v63  }
0x5f: {  	v3 =	vld [tilespmem:$0x50];
	_ =	sdelay $0x4  }
0x60: {  	v45 =	vshll.u32 v3, $0x1  }
0x61: {  	v3 =	vand.u32 $0x7, v3;
	v4 =	vand.u32 $0xFFFFFFF0, v45  }
0x62: {  	v3 =	vor.u32 v3, v4  }
0x63: {  	v4 =	vperm.xlane v3, v0;
	_ =	sdelay $0x1  }
0x64: {  	v3 =	vperm.xlane v3, v2;
	v4 =	vadd.s32 v1, v4;
	_ =	sdelay $0x1  }
0x65: {  	v3 =	vadd.s32 v1, v3;
	_ =	sdelay $0x1  }
0x66: {  	s0 =	rddreg [dreg:$0xe]  }
0x67: {  	[tilespmem:s0], [sflag:$0x1] =	stream.indirect_vreg.gather [hbm4b:s2+s3], $0x80, v4, vm0, $0xb8;
	[tilespmem:$0x18180] =	vst v63  }
0x68: {  	s7 =	rddreg [dreg:$0xf]  }
0x69: {  	[tilespmem:s7], [sflag:$0x1] =	stream.indirect_vreg.gather [hbm4b:s2+s3], $0x80, v3, vm0, $0xb8;
	[tilespmem:$0x18180] =	vst v63  }
0x6a: {  	v3 =	vld [tilespmem:$0x60];
	_ =	sdelay $0x4  }
0x6b: {  	v46 =	vshll.u32 v3, $0x1  }
0x6c: {  	v3 =	vand.u32 $0x7, v3;
	v4 =	vand.u32 $0xFFFFFFF0, v46  }
0x6d: {  	v3 =	vor.u32 v3, v4  }
0x6e: {  	v4 =	vperm.xlane v3, v0;
	_ =	sdelay $0x1  }
0x6f: {  	v3 =	vperm.xlane v3, v2;
	v4 =	vadd.s32 v1, v4;
	_ =	sdelay $0x1  }
0x70: {  	v3 =	vadd.s32 v1, v3;
	_ =	sdelay $0x1  }
0x71: {  	s0 =	rddreg [dreg:$0x10]  }
0x72: {  	[tilespmem:s0], [sflag:$0x1] =	stream.indirect_vreg.gather [hbm4b:s2+s3], $0x80, v4, vm0, $0xb8;
	[tilespmem:$0x18180] =	vst v63  }
0x73: {  	s7 =	rddreg [dreg:$0x11]  }
0x74: {  	[tilespmem:s7], [sflag:$0x1] =	stream.indirect_vreg.gather [hbm4b:s2+s3], $0x80, v3, vm0, $0xb8;
	[tilespmem:$0x18180] =	vst v63  }
0x75: {  	v3 =	vld [tilespmem:$0x70];
	_ =	sdelay $0x4  }
0x76: {  	v47 =	vshll.u32 v3, $0x1  }
0x77: {  	v3 =	vand.u32 $0x7, v3;
	v4 =	vand.u32 $0xFFFFFFF0, v47  }
0x78: {  	v3 =	vor.u32 v3, v4  }
0x79: {  	v4 =	vperm.xlane v3, v0;
	_ =	sdelay $0x1  }
0x7a: {  	v3 =	vperm.xlane v3, v2;
	v4 =	vadd.s32 v1, v4;
	_ =	sdelay $0x1  }
0x7b: {  	v3 =	vadd.s32 v1, v3;
	_ =	sdelay $0x1  }
0x7c: {  	s0 =	rddreg [dreg:$0x12]  }
0x7d: {  	[tilespmem:s0], [sflag:$0x1] =	stream.indirect_vreg.gather [hbm4b:s2+s3], $0x80, v4, vm0, $0xb8;
	[tilespmem:$0x18180] =	vst v63  }
0x7e: {  	s7 =	rddreg [dreg:$0x13]  }
0x7f: {  	[tilespmem:s7], [sflag:$0x1] =	stream.indirect_vreg.gather [hbm4b:s2+s3], $0x80, v3, vm0, $0xb8;
	[tilespmem:$0x18180] =	vst v63  }
0x80: {  	v3 =	vld [tilespmem:$0x80];
	_ =	sdelay $0x4  }
0x81: {  	v48 =	vshll.u32 v3, $0x1  }
0x82: {  	v3 =	vand.u32 $0x7, v3;
	v4 =	vand.u32 $0xFFFFFFF0, v48  }
0x83: {  	v3 =	vor.u32 v3, v4  }
0x84: {  	v4 =	vperm.xlane v3, v0;
	_ =	sdelay $0x1  }
0x85: {  	v3 =	vperm.xlane v3, v2;
	v4 =	vadd.s32 v1, v4;
	_ =	sdelay $0x1  }
0x86: {  	v3 =	vadd.s32 v1, v3;
	_ =	sdelay $0x1  }
0x87: {  	s0 =	rddreg [dreg:$0x14]  }
0x88: {  	[tilespmem:s0], [sflag:$0x1] =	stream.indirect_vreg.gather [hbm4b:s2+s3], $0x80, v4, vm0, $0xb8;
	[tilespmem:$0x18180] =	vst v63  }
0x89: {  	s7 =	rddreg [dreg:$0x15]  }
0x8a: {  	[tilespmem:s7], [sflag:$0x1] =	stream.indirect_vreg.gather [hbm4b:s2+s3], $0x80, v3, vm0, $0xb8;
	[tilespmem:$0x18180] =	vst v63  }
0x8b: {  	v3 =	vld [tilespmem:$0x90];
	_ =	sdelay $0x4  }
0x8c: {  	v49 =	vshll.u32 v3, $0x1  }
0x8d: {  	v3 =	vand.u32 $0x7, v3;
	v4 =	vand.u32 $0xFFFFFFF0, v49  }
0x8e: {  	v3 =	vor.u32 v3, v4  }
0x8f: {  	v4 =	vperm.xlane v3, v0;
	_ =	sdelay $0x1  }
0x90: {  	v3 =	vperm.xlane v3, v2;
	v4 =	vadd.s32 v1, v4;
	_ =	sdelay $0x1  }
0x91: {  	v3 =	vadd.s32 v1, v3;
	_ =	sdelay $0x1  }
0x92: {  	s0 =	rddreg [dreg:$0x16]  }
0x93: {  	[tilespmem:s0], [sflag:$0x1] =	stream.indirect_vreg.gather [hbm4b:s2+s3], $0x80, v4, vm0, $0xb8;
	[tilespmem:$0x18180] =	vst v63  }
0x94: {  	s7 =	rddreg [dreg:$0x17]  }
0x95: {  	[tilespmem:s7], [sflag:$0x1] =	stream.indirect_vreg.gather [hbm4b:s2+s3], $0x80, v3, vm0, $0xb8;
	[tilespmem:$0x18180] =	vst v63  }
0x96: {  	v3 =	vld [tilespmem:$0xA0];
	_ =	sdelay $0x4  }
0x97: {  	v50 =	vshll.u32 v3, $0x1  }
0x98: {  	v3 =	vand.u32 $0x7, v3;
	v4 =	vand.u32 $0xFFFFFFF0, v50  }
0x99: {  	v3 =	vor.u32 v3, v4  }
0x9a: {  	v4 =	vperm.xlane v3, v0;
	_ =	sdelay $0x1  }
0x9b: {  	v3 =	vperm.xlane v3, v2;
	v4 =	vadd.s32 v1, v4;
	_ =	sdelay $0x1  }
0x9c: {  	v3 =	vadd.s32 v1, v3;
	_ =	sdelay $0x1  }
0x9d: {  	s0 =	rddreg [dreg:$0x18]  }
0x9e: {  	[tilespmem:s0], [sflag:$0x1] =	stream.indirect_vreg.gather [hbm4b:s2+s3], $0x80, v4, vm0, $0xb8;
	[tilespmem:$0x18180] =	vst v63  }
0x9f: {  	s7 =	rddreg [dreg:$0x19]  }
0xa0: {  	[tilespmem:s7], [sflag:$0x1] =	stream.indirect_vreg.gather [hbm4b:s2+s3], $0x80, v3, vm0, $0xb8;
	[tilespmem:$0x18180] =	vst v63  }
0xa1: {  	v3 =	vld [tilespmem:$0xB0];
	_ =	sdelay $0x4  }
0xa2: {  	v51 =	vshll.u32 v3, $0x1  }
0xa3: {  	v3 =	vand.u32 $0x7, v3;
	v4 =	vand.u32 $0xFFFFFFF0, v51  }
0xa4: {  	v3 =	vor.u32 v3, v4  }
0xa5: {  	v4 =	vperm.xlane v3, v0;
	_ =	sdelay $0x1  }
0xa6: {  	v3 =	vperm.xlane v3, v2;
	v4 =	vadd.s32 v1, v4;
	_ =	sdelay $0x1  }
0xa7: {  	v3 =	vadd.s32 v1, v3;
	_ =	sdelay $0x1  }
0xa8: {  	s0 =	rddreg [dreg:$0x1a]  }
0xa9: {  	[tilespmem:s0], [sflag:$0x1] =	stream.indirect_vreg.gather [hbm4b:s2+s3], $0x80, v4, vm0, $0xb8;
	[tilespmem:$0x18180] =	vst v63  }
0xaa: {  	s7 =	rddreg [dreg:$0x1b]  }
0xab: {  	[tilespmem:s7], [sflag:$0x1] =	stream.indirect_vreg.gather [hbm4b:s2+s3], $0x80, v3, vm0, $0xb8;
	[tilespmem:$0x18180] =	vst v63  }
0xac: {  	v3 =	vld [tilespmem:$0xC0];
	_ =	sdelay $0x4  }
0xad: {  	v52 =	vshll.u32 v3, $0x1  }
0xae: {  	v3 =	vand.u32 $0x7, v3;
	v4 =	vand.u32 $0xFFFFFFF0, v52  }
0xaf: {  	v3 =	vor.u32 v3, v4  }
0xb0: {  	v4 =	vperm.xlane v3, v0;
	_ =	sdelay $0x1  }
0xb1: {  	v3 =	vperm.xlane v3, v2;
	v4 =	vadd.s32 v1, v4;
	_ =	sdelay $0x1  }
0xb2: {  	v3 =	vadd.s32 v1, v3;
	_ =	sdelay $0x1  }
0xb3: {  	s7 =	simm.s32 $0xC180  }
0xb4: {  	[tilespmem:s7], [sflag:$0x1] =	stream.indirect_vreg.gather [hbm4b:s2+s3], $0x80, v4, vm0, $0xb8;
	[tilespmem:$0x18180] =	vst v63  }
0xb5: {  	_ = 	snop  }
0xb6: {  	[tilespmem:s8], [sflag:$0x1] =	stream.indirect_vreg.gather [hbm4b:s2+s3], $0x80, v3, vm0, $0xb8;
	[tilespmem:$0x18180] =	vst v63  }
0xb7: {  	v3 =	vld [tilespmem:$0xD0];
	_ =	sdelay $0x4  }
0xb8: {  	v53 =	vshll.u32 v3, $0x1  }
0xb9: {  	v3 =	vand.u32 $0x7, v3;
	v4 =	vand.u32 $0xFFFFFFF0, v53  }
0xba: {  	v3 =	vor.u32 v3, v4  }
0xbb: {  	v4 =	vperm.xlane v3, v0;
	_ =	sdelay $0x1  }
0xbc: {  	v3 =	vperm.xlane v3, v2;
	v4 =	vadd.s32 v1, v4;
	_ =	sdelay $0x1  }
0xbd: {  	v3 =	vadd.s32 v1, v3;
	_ =	sdelay $0x2  }
0xbe: {  	[tilespmem:s9], [sflag:$0x1] =	stream.indirect_vreg.gather [hbm4b:s2+s3], $0x80, v4, vm0, $0xb8;
	[tilespmem:$0x18180] =	vst v63  }
0xbf: {  	_ = 	snop  }
0xc0: {  	[tilespmem:s10], [sflag:$0x1] =	stream.indirect_vreg.gather [hbm4b:s2+s3], $0x80, v3, vm0, $0xb8;
	[tilespmem:$0x18180] =	vst v63  }
0xc1: {  	v3 =	vld [tilespmem:$0xE0];
	_ =	sdelay $0x4  }
0xc2: {  	v54 =	vshll.u32 v3, $0x1  }
0xc3: {  	v3 =	vand.u32 $0x7, v3;
	v4 =	vand.u32 $0xFFFFFFF0, v54  }
0xc4: {  	v3 =	vor.u32 v3, v4  }
0xc5: {  	v4 =	vperm.xlane v3, v0;
	_ =	sdelay $0x1  }
0xc6: {  	v3 =	vperm.xlane v3, v2;
	v4 =	vadd.s32 v1, v4;
	_ =	sdelay $0x1  }
0xc7: {  	v3 =	vadd.s32 v1, v3;
	_ =	sdelay $0x2  }
0xc8: {  	[tilespmem:s11], [sflag:$0x1] =	stream.indirect_vreg.gather [hbm4b:s2+s3], $0x80, v4, vm0, $0xb8;
	[tilespmem:$0x18180] =	vst v63  }
0xc9: {  	_ = 	snop  }
0xca: {  	[tilespmem:s12], [sflag:$0x1] =	stream.indirect_vreg.gather [hbm4b:s2+s3], $0x80, v3, vm0, $0xb8;
	[tilespmem:$0x18180] =	vst v63  }
0xcb: {  	v3 =	vld [tilespmem:$0xF0];
	_ =	sdelay $0x4  }
0xcc: {  	v55 =	vshll.u32 v3, $0x1  }
0xcd: {  	v3 =	vand.u32 $0x7, v3;
	v4 =	vand.u32 $0xFFFFFFF0, v55  }
0xce: {  	v3 =	vor.u32 v3, v4  }
0xcf: {  	v4 =	vperm.xlane v3, v0;
	_ =	sdelay $0x1  }
0xd0: {  	v3 =	vperm.xlane v3, v2;
	v4 =	vadd.s32 v1, v4;
	_ =	sdelay $0x1  }
0xd1: {  	v3 =	vadd.s32 v1, v3;
	_ =	sdelay $0x2  }
0xd2: {  	[tilespmem:s13], [sflag:$0x1] =	stream.indirect_vreg.gather [hbm4b:s2+s3], $0x80, v4, vm0, $0xb8;
	[tilespmem:$0x18180] =	vst v63  }
0xd3: {  	_ = 	snop  }
0xd4: {  	[tilespmem:s14], [sflag:$0x1] =	stream.indirect_vreg.gather [hbm4b:s2+s3], $0x80, v3, vm0, $0xb8;
	[tilespmem:$0x18180] =	vst v63  }
0xd5: {  	v3 =	vld [tilespmem:$0x100];
	_ =	sdelay $0x4  }
0xd6: {  	v56 =	vshll.u32 v3, $0x1  }
0xd7: {  	v3 =	vand.u32 $0x7, v3;
	v4 =	vand.u32 $0xFFFFFFF0, v56  }
0xd8: {  	v3 =	vor.u32 v3, v4  }
0xd9: {  	v4 =	vperm.xlane v3, v0;
	_ =	sdelay $0x1  }
0xda: {  	v3 =	vperm.xlane v3, v2;
	v4 =	vadd.s32 v1, v4;
	_ =	sdelay $0x1  }
0xdb: {  	v3 =	vadd.s32 v1, v3;
	_ =	sdelay $0x2  }
0xdc: {  	[tilespmem:s15], [sflag:$0x1] =	stream.indirect_vreg.gather [hbm4b:s2+s3], $0x80, v4, vm0, $0xb8;
	[tilespmem:$0x18180] =	vst v63  }
0xdd: {  	_ = 	snop  }
0xde: {  	[tilespmem:s16], [sflag:$0x1] =	stream.indirect_vreg.gather [hbm4b:s2+s3], $0x80, v3, vm0, $0xb8;
	[tilespmem:$0x18180] =	vst v63  }
0xdf: {  	v3 =	vld [tilespmem:$0x110];
	_ =	sdelay $0x4  }
0xe0: {  	v57 =	vshll.u32 v3, $0x1  }
0xe1: {  	v3 =	vand.u32 $0x7, v3;
	v4 =	vand.u32 $0xFFFFFFF0, v57  }
0xe2: {  	v3 =	vor.u32 v3, v4  }
0xe3: {  	v4 =	vperm.xlane v3, v0;
	_ =	sdelay $0x1  }
0xe4: {  	v3 =	vperm.xlane v3, v2;
	v4 =	vadd.s32 v1, v4;
	_ =	sdelay $0x1  }
0xe5: {  	v3 =	vadd.s32 v1, v3;
	_ =	sdelay $0x2  }
0xe6: {  	[tilespmem:s17], [sflag:$0x1] =	stream.indirect_vreg.gather [hbm4b:s2+s3], $0x80, v4, vm0, $0xb8;
	[tilespmem:$0x18180] =	vst v63  }
0xe7: {  	_ = 	snop  }
0xe8: {  	[tilespmem:s18], [sflag:$0x1] =	stream.indirect_vreg.gather [hbm4b:s2+s3], $0x80, v3, vm0, $0xb8;
	[tilespmem:$0x18180] =	vst v63  }
0xe9: {  	v3 =	vld [tilespmem:$0x120];
	_ =	sdelay $0x4  }
0xea: {  	v58 =	vshll.u32 v3, $0x1  }
0xeb: {  	v3 =	vand.u32 $0x7, v3;
	v4 =	vand.u32 $0xFFFFFFF0, v58  }
0xec: {  	v3 =	vor.u32 v3, v4  }
0xed: {  	v4 =	vperm.xlane v3, v0;
	_ =	sdelay $0x1  }
0xee: {  	v3 =	vperm.xlane v3, v2;
	v4 =	vadd.s32 v1, v4;
	_ =	sdelay $0x1  }
0xef: {  	v3 =	vadd.s32 v1, v3;
	_ =	sdelay $0x2  }
0xf0: {  	[tilespmem:s19], [sflag:$0x1] =	stream.indirect_vreg.gather [hbm4b:s2+s3], $0x80, v4, vm0, $0xb8;
	[tilespmem:$0x18180] =	vst v63  }
0xf1: {  	_ = 	snop  }
0xf2: {  	[tilespmem:s20], [sflag:$0x1] =	stream.indirect_vreg.gather [hbm4b:s2+s3], $0x80, v3, vm0, $0xb8;
	[tilespmem:$0x18180] =	vst v63  }
0xf3: {  	v3 =	vld [tilespmem:$0x130];
	_ =	sdelay $0x4  }
0xf4: {  	v59 =	vshll.u32 v3, $0x1  }
0xf5: {  	v3 =	vand.u32 $0x7, v3;
	v4 =	vand.u32 $0xFFFFFFF0, v59  }
0xf6: {  	v3 =	vor.u32 v3, v4  }
0xf7: {  	v4 =	vperm.xlane v3, v0;
	_ =	sdelay $0x1  }
0xf8: {  	v3 =	vperm.xlane v3, v2;
	v4 =	vadd.s32 v1, v4;
	_ =	sdelay $0x1  }
0xf9: {  	v3 =	vadd.s32 v1, v3;
	_ =	sdelay $0x2  }
0xfa: {  	[tilespmem:s21], [sflag:$0x1] =	stream.indirect_vreg.gather [hbm4b:s2+s3], $0x80, v4, vm0, $0xb8;
	[tilespmem:$0x18180] =	vst v63  }
0xfb: {  	_ = 	snop  }
0xfc: {  	[tilespmem:s22], [sflag:$0x1] =	stream.indirect_vreg.gather [hbm4b:s2+s3], $0x80, v3, vm0, $0xb8;
	[tilespmem:$0x18180] =	vst v63  }
0xfd: {  	v3 =	vld [tilespmem:$0x140];
	_ =	sdelay $0x4  }
0xfe: {  	v60 =	vshll.u32 v3, $0x1  }
0xff: {  	v3 =	vand.u32 $0x7, v3;
	v4 =	vand.u32 $0xFFFFFFF0, v60  }
0x100: {  	v3 =	vor.u32 v3, v4  }
0x101: {  	v4 =	vperm.xlane v3, v0;
	_ =	sdelay $0x1  }
0x102: {  	v3 =	vperm.xlane v3, v2;
	v4 =	vadd.s32 v1, v4;
	_ =	sdelay $0x1  }
0x103: {  	v3 =	vadd.s32 v1, v3;
	_ =	sdelay $0x2  }
0x104: {  	[tilespmem:s23], [sflag:$0x1] =	stream.indirect_vreg.gather [hbm4b:s2+s3], $0x80, v4, vm0, $0xb8;
	[tilespmem:$0x18180] =	vst v63  }
0x105: {  	_ = 	snop  }
0x106: {  	[tilespmem:s24], [sflag:$0x1] =	stream.indirect_vreg.gather [hbm4b:s2+s3], $0x80, v3, vm0, $0xb8;
	[tilespmem:$0x18180] =	vst v63  }
0x107: {  	v3 =	vld [tilespmem:$0x150];
	_ =	sdelay $0x4  }
0x108: {  	v61 =	vshll.u32 v3, $0x1  }
0x109: {  	v3 =	vand.u32 $0x7, v3;
	v4 =	vand.u32 $0xFFFFFFF0, v61  }
0x10a: {  	v3 =	vor.u32 v3, v4  }
0x10b: {  	v4 =	vperm.xlane v3, v0;
	_ =	sdelay $0x1  }
0x10c: {  	v3 =	vperm.xlane v3, v2;
	v4 =	vadd.s32 v1, v4;
	_ =	sdelay $0x1  }
0x10d: {  	v3 =	vadd.s32 v1, v3;
	_ =	sdelay $0x2  }
0x10e: {  	[tilespmem:s25], [sflag:$0x1] =	stream.indirect_vreg.gather [hbm4b:s2+s3], $0x80, v4, vm0, $0xb8;
	[tilespmem:$0x18180] =	vst v63  }
0x10f: {  	_ = 	snop  }
0x110: {  	[tilespmem:s26], [sflag:$0x1] =	stream.indirect_vreg.gather [hbm4b:s2+s3], $0x80, v3, vm0, $0xb8;
	[tilespmem:$0x18180] =	vst v63  }
0x111: {  	v3 =	vld [tilespmem:$0x160];
	_ =	sdelay $0x4  }
0x112: {  	v62 =	vshll.u32 v3, $0x1  }
0x113: {  	v3 =	vand.u32 $0x7, v3;
	v4 =	vand.u32 $0xFFFFFFF0, v62  }
0x114: {  	v3 =	vor.u32 v3, v4  }
0x115: {  	v4 =	vperm.xlane v3, v0;
	_ =	sdelay $0x1  }
0x116: {  	v3 =	vperm.xlane v3, v2;
	v4 =	vadd.s32 v1, v4;
	_ =	sdelay $0x1  }
0x117: {  	v3 =	vadd.s32 v1, v3;
	_ =	sdelay $0x2  }
0x118: {  	[tilespmem:s28], [sflag:$0x1] =	stream.indirect_vreg.gather [hbm4b:s2+s3], $0x80, v4, vm0, $0xb8;
	[tilespmem:$0x18180] =	vst v63  }
0x119: {  	_ = 	snop  }
0x11a: {  	[tilespmem:s29], [sflag:$0x1] =	stream.indirect_vreg.gather [hbm4b:s2+s3], $0x80, v3, vm0, $0xb8;
	[tilespmem:$0x18180] =	vst v63  }
0x11b: {  	v3 =	vld [tilespmem:$0x170];
	_ =	sdelay $0x4  }
0x11c: {  	v63 =	vshll.u32 v3, $0x1  }
0x11d: {  	v3 =	vand.u32 $0x7, v3;
	v4 =	vand.u32 $0xFFFFFFF0, v63  }
0x11e: {  	v3 =	vor.u32 v3, v4  }
0x11f: {  	v4 =	vperm.xlane v3, v0;
	_ =	sdelay $0x1  }
0x120: {  	v3 =	vperm.xlane v3, v2;
	v4 =	vadd.s32 v1, v4;
	_ =	sdelay $0x1  }
0x121: {  	v3 =	vadd.s32 v1, v3;
	_ =	sdelay $0x2  }
0x122: {  	[tilespmem:s30], [sflag:$0x1] =	stream.indirect_vreg.gather [hbm4b:s2+s3], $0x80, v4, vm0, $0xb8;
	[tilespmem:$0x18180] =	vst v63  }
0x123: {  	_ = 	snop  }
0x124: {  	[tilespmem:s31], [sflag:$0x1] =	stream.indirect_vreg.gather [hbm4b:s2+s3], $0x80, v3, vm0, $0xb8;
	[tilespmem:$0x18180] =	vst v63  }
0x125: {  	_ =	swait.ge [sflag:s1], $0x18000  }
0x126: {  	p0 =	sne.s32 s4, $0x1;
	[sflag:s1] =	ssyncset.done $0x0  }
.Ltmp0:
0x127: {  	s7 =	rddreg [dreg:$0x4];
	[sflag:s1] =	ssyncadd.s32 $0xFFFE8000;
	(pc) =	sbr.rel @p0 .LBB2_1-.Ltmp0, $4  }
0x128: {  	[hbm4b:s7+s3] =	stream.linear.scatter [tilespmem:s6], [sflag:$0x2], $0x18000, $0x38;
	[tilespmem:$0x18180] =	vst v63  }
0x129: {  	_ =	swait.ge [sflag:s5], $0x18000  }
0x12a: {  	[sflag:s5] =	ssyncset.done $0x0  }
0x12b: {  	s4 =	sadd.s32 $0xFFFFFFFF, s4;
	[sflag:s5] =	ssyncadd.s32 $0xFFFE8000  }
0x12c: {  	_ =	sfence.sel $0x180000  }
0x12d: {  	[bflag:$0x0] =	sbarrier.arrive $0xFFFF  }
0x12e: {  	_ =	strace $0x90000050  }
0x12f: {  	s0 =	stileid.u32;
	[bflag:$0x2] =	sbarrier.arrive $0xFFFF  }
0x130: {  	p0 =	sne.s32 s0, $0x0;
	s0 =	rddreg [dreg:$0x2]  }
0x131: {  	s0 =	sadd.s32 @!p0 $0x100000, s0  }
0x132: {  	[sflag:s0] =	ssyncadd.tile.s32 @!p0 $0x1;
	_ =	shalt  }
.Lfunc_end2:
_tile_overlayer_lowered:
.L_overlay_start_2:
0x133: {  	(tag) =	ssettag $0x2  }
0x134: {  	s0 =	rddreg [dreg:$0x0];
	s2 =	stileid.u32  }
0x135: {  	s1 =	rddreg [dreg:$0x1];
	p0 =	sne.s32 s2, $0x0  }
0x136: {  	s3 =	rddreg [dreg:$0x2];
	[bflag:$0x3] =	sbarrier.arrive $0xFFFF;
	s2 =	simm.s32 @!p0 $0x1C02  }
0x137: {  	[timem:s3], [sflag:s2] =	dma.local @!p0 [hbm:s0], s1  }
0x138: {  	s0 =	simm.s32 @!p0 $0x2  }
0x139: {  	_ =	swait.ge @!p0 [sflag:s0], s1  }
0x13a: {  	s1 =	ssub.s32 @!p0 $0x0, s1;
	[sflag:s0] =	ssyncset.done @!p0 $0x0  }
0x13b: {  	[sflag:s0] =	ssyncadd.s32 @!p0 s1  }
0x13c: {  	[bflag:$0x3] =	sbarrier.arrive $0xFFFF  }
0x13d: {  	_ =	shalt  }

// kernel: kernel.15.cloned.1.call-start
scs
__scs_entry_jumppad:
0x0: {  	(pc) =	sbr.rel $0x88, $3  }
0x1: {  	(tag) =	ssettag $0x0;
	lr =	simm.s32 $0x1  }
0x2: {  	[smem:$0x3F71] =	sst lr;
	_ =	strace $0xD0000000  }
0x3: {  	_ = 	snop  }
0x4: {  	_ = 	snop  }
0x5: {  	_ = 	snop  }
0x6: {  	_ = 	snop  }
0x7: {  	_ = 	snop  }
__scs_overlays_trampoline_lowered:
0x8: {  	[smem:$0x3F80] =	sst s0  }
0x9: {  	[smem:$0x3F81] =	sst s1  }
0xa: {  	[smem:$0x3F82] =	sst s2  }
0xb: {  	[smem:$0x3F83] =	sst s3  }
0xc: {  	[smem:$0x3F84] =	sst s4  }
0xd: {  	[smem:$0x3F85] =	sst s5  }
0xe: {  	[smem:$0x3F86] =	sst s6  }
0xf: {  	[smem:$0x3F87] =	sst s7  }
0x10: {  	[smem:$0x3F88] =	sst s8  }
0x11: {  	[smem:$0x3F89] =	sst s9;
	s0 =	simm.s32 @!p0 $0x0  }
0x12: {  	s1 =	sld [smem:$0x3F6F];
	s0 =	simm.s32 @p0 $0x1  }
0x13: {  	[smem:$0x3F8A] =	sst s0;
	s0 =	simm.s32 @!p1 $0x0  }
0x14: {  	s2 =	sld [smem:$0x3F6E];
	s0 =	simm.s32 @p1 $0x1  }
0x15: {  	[smem:$0x3F8B] =	sst s0;
	s0 =	simm.s32 @!p2 $0x0  }
0x16: {  	s3 =	sld [smem:$0x3FDB];
	s0 =	simm.s32 @p2 $0x1  }
0x17: {  	s4 =	simm.s32 $0x1BF5;
	[smem:$0x3F8D] =	sst s0  }
0x18: {  	s0 =	sld [smem:$0x3F70];
	_ =	swait.ge [sflag:s4], $0x0  }
0x19: {  	s7 =	sld [smem:$0x3F71]  }
0x1a: {  	s8 =	sadd.s32 $0xFFFFE003, lr  }
0x1b: {  	s9 =	sadd.s32 $0xFFFFFEF7, lr;
	s5 =	simm.s32 $0xFFFFFFFF;
	p2 =	slt.u32 s8, $0xFFFFF086  }
0x1c: {  	p1 =	slt.u32 s9, $0xF7A;
	s5 =	simm.s32 @!p2 $0x0  }
0x1d: {  	s5 =	simm.s32 @p1 $0x1;
	p0 =	seq.s32 s7, s2  }
0x1e: {  	s7 =	smul.u32 @!p0 $0xF7A, s2;
	p2 =	seq.s32 @!p0 s5, $0x0  }
0x1f: {  	s9 =	smul.u32 $0xF7A, s1;
	s8 =	simm.s32 @!p0 $0x1BF5;
	p2 =	por !p2, p0  }
0x20: {  	[sflag:s8] =	ssyncset.s32 @!p0 $0xFFFFF086;
	s6 =	sadd.s32 @!p0 s3, s7;
	s7 =	simm.s32 @!p0 $0x108  }
0x21: {  	s3 =	sadd.s32 s3, s9;
	s6 =	sadd.s32 @!p0 $0x88, s6;
	s7 =	simm.s32 @p2 $0x1082  }
0x22: {  	[simem:s7], [sflag:s8] =	dma.local @!p0 [hbm:s6], $0xF7A  }
0x23: {  	s9 =	sor.u32 $0xD0000000, s2;
	s6 =	simm.s32 $0x108;
	_ =	swait.ge @!p0 [sflag:s8], $0x0  }
0x24: {  	s3 =	sadd.s32 $0x88, s3;
	s6 =	simm.s32 @!p1 $0x1082;
	[sflag:s4] =	ssyncset.s32 $0xFFFFF086  }
0x25: {  	[simem:s6], [sflag:s4] =	dma.local [hbm:s3], $0xF7A  }
0x26: {  	[smem:$0x3F71] =	sst s1;
	(tag) =	ssettag s2;
	_ =	strace s9  }
0x27: {  	s1 =	sld [smem:$0x3F81]  }
0x28: {  	s2 =	sld [smem:$0x3F82]  }
0x29: {  	s4 =	sld [smem:$0x3F84]  }
0x2a: {  	p0 =	seq.s32 s5, $0x0;
	s5 =	sld [smem:$0x3F85]  }
0x2b: {  	s6 =	sld [smem:$0x3F86]  }
0x2c: {  	s7 =	sld [smem:$0x3F87]  }
0x2d: {  	s3 =	simm.s32 $0x108;
	s8 =	sld [smem:$0x3F88]  }
0x2e: {  	s3 =	simm.s32 @!p0 $0x1082;
	s9 =	sld [smem:$0x3F89]  }
0x2f: {  	lr =	sadd.s32 s0, s3;
	s0 =	sld [smem:$0x3F80]  }
0x30: {  	s3 =	sld [smem:$0x3F83]  }
0x31: {  	[smem:$0x3F8C] =	sst s10  }
0x32: {  	s10 =	sld [smem:$0x3F8A];
	_ =	sdelay $0x3  }
0x33: {  	p0 =	seq.s32 s10, $0x1;
	s10 =	sld [smem:$0x3F8C];
	_ =	sdelay $0x3  }
0x34: {  	[smem:$0x3F8C] =	sst s10  }
0x35: {  	s10 =	sld [smem:$0x3F8B];
	_ =	sdelay $0x3  }
0x36: {  	p1 =	seq.s32 s10, $0x1;
	s10 =	sld [smem:$0x3F8C];
	_ =	sdelay $0x3  }
0x37: {  	[smem:$0x3F8C] =	sst s10  }
0x38: {  	s10 =	sld [smem:$0x3F8D]  }
0x39: {  	_ = 	snop;
	(pc) =	sbr.ind lr, $3  }
0x3a: {  	_ = 	snop  }
0x3b: {  	_ = 	snop  }
0x3c: {  	p2 =	seq.s32 s10, $0x1;
	s10 =	sld [smem:$0x3F8C]  }
0x3d: {  	_ =	shalt  }
0x3e: {  	_ =	shalt  }
0x3f: {  	_ =	shalt  }
0x40: {  	_ =	shalt  }
0x41: {  	_ =	shalt  }
0x42: {  	_ =	shalt  }
0x43: {  	_ =	shalt  }
0x44: {  	_ =	shalt  }
0x45: {  	_ =	shalt  }
0x46: {  	_ =	shalt  }
0x47: {  	_ =	shalt  }
0x48: {  	_ =	shalt  }
0x49: {  	_ =	shalt  }
0x4a: {  	_ =	shalt  }
0x4b: {  	_ =	shalt  }
0x4c: {  	_ =	shalt  }
0x4d: {  	_ =	shalt  }
0x4e: {  	_ =	shalt  }
0x4f: {  	_ =	shalt  }
0x50: {  	_ =	shalt  }
0x51: {  	_ =	shalt  }
0x52: {  	_ =	shalt  }
0x53: {  	_ =	shalt  }
0x54: {  	_ =	shalt  }
0x55: {  	_ =	shalt  }
0x56: {  	_ =	shalt  }
0x57: {  	_ =	shalt  }
0x58: {  	_ =	shalt  }
0x59: {  	_ =	shalt  }
0x5a: {  	_ =	shalt  }
0x5b: {  	_ =	shalt  }
0x5c: {  	_ =	shalt  }
0x5d: {  	_ =	shalt  }
0x5e: {  	_ =	shalt  }
0x5f: {  	_ =	shalt  }
0x60: {  	_ =	shalt  }
0x61: {  	_ =	shalt  }
0x62: {  	_ =	shalt  }
0x63: {  	_ =	shalt  }
0x64: {  	_ =	shalt  }
0x65: {  	_ =	shalt  }
0x66: {  	_ =	shalt  }
0x67: {  	_ =	shalt  }
0x68: {  	_ =	shalt  }
0x69: {  	_ =	shalt  }
0x6a: {  	_ =	shalt  }
0x6b: {  	_ =	shalt  }
0x6c: {  	_ =	shalt  }
0x6d: {  	_ =	shalt  }
0x6e: {  	_ =	shalt  }
0x6f: {  	_ =	shalt  }
0x70: {  	_ =	shalt  }
0x71: {  	_ =	shalt  }
0x72: {  	_ =	shalt  }
0x73: {  	_ =	shalt  }
0x74: {  	_ =	shalt  }
0x75: {  	_ =	shalt  }
0x76: {  	_ =	shalt  }
0x77: {  	_ =	shalt  }
0x78: {  	_ =	shalt  }
0x79: {  	_ =	shalt  }
0x7a: {  	_ =	shalt  }
0x7b: {  	_ =	shalt  }
0x7c: {  	_ =	shalt  }
0x7d: {  	_ =	shalt  }
0x7e: {  	_ =	shalt  }
0x7f: {  	_ =	shalt  }
0x80: {  	_ =	shalt  }
0x81: {  	_ =	shalt  }
0x82: {  	_ =	shalt  }
0x83: {  	_ =	shalt  }
0x84: {  	_ =	shalt  }
0x85: {  	_ =	shalt  }
0x86: {  	_ =	shalt  }
0x87: {  	_ =	shalt  }
.Lfunc_end0:
.L_simem_size_0:
called_computation.4_lowered:
.L_overlay_start_0:
0x88: {  	s2 =	sld [smem:$0x3FD9]  }
0x89: {  	s3 =	sld [smem:$0x3FFE];
	_ =	sdelay $0x1  }
0x8a: {  	s1 =	srdreg.scid  }
0x8b: {  	s0 =	sand.u32 $0x1, s1  }
0x8c: {  	s16 =	sshll.u32 s0, $0xA;
	s2 =	sadd.s32 s3, s2  }
0x8d: {  	s2 =	sadd.s32 s2, s16  }
0x8e: {  	[smem:$0x3F98] =	sst s2  }
0x8f: {  	_ = 	snop  }
0x90: {  	(tm) =	ssettm $0x1  }
0x91: {  	s17 =	sld [smem:$0x3FFB];
	_ =	sdelay $0x3  }
0x92: {  	_ =	strace s17  }
0x93: {  	s2 =	sld [smem:$0x3FFC];
	_ =	sdelay $0x3  }
0x94: {  	_ =	strace s2  }
0x95: {  	s2 =	sld [smem:$0x3FFD];
	_ =	sdelay $0x3  }
0x96: {  	_ =	strace s2  }
0x97: {  	_ =	strace $0x8FFFFFFF  }
0x98: {  	s18 =	sld [smem:$0x3FDB];
	_ =	sdelay $0x1  }
0x99: {  	s19 =	simm.s32 $_scs_section_size  }
0x9a: {  	s4 =	simm.s32 $_size__tile_overlayer_lowered;
	s5 =	simm.s32 $_tile_overlayer_lowered  }
0x9b: {  	s22 =	simm.s32 $0x1BFF;
	s21 =	sshll.u32 s5, $0x1;
	s2 =	sadd.s32 s19, s18  }
0x9c: {  	s6 =	simm.s32 $0x0;
	s20 =	sshll.u32 s4, $0x1;
	s4 =	sadd.s32 s21, s2  }
0x9d: {  	[timem:s6], [sflag:s22] =	dma.local [hbm:s4], s20  }
0x9e: {  	_ =	swait.ge [sflag:s22], s20  }
0x9f: {  	s3 =	ssub.s32 $0x0, s20;
	[sflag:s22] =	ssyncset.done $0x0  }
0xa0: {  	[sflag:s22] =	ssyncadd.s32 s3;
	_ =	sdelay $0x1  }
0xa1: {  	s23 =	simm.s32 $0x1B8B  }
0xa2: {  	_ =	swait.ge [sflag:s23], $0x1  }
0xa3: {  	[sflag:s23] =	ssyncset.done $0x0  }
0xa4: {  	s25 =	simm.s32 $0x1B8E;
	s24 =	sld [smem:$0x3FFE];
	[sflag:s23] =	ssyncadd.s32 $0xFFFFFFFF  }
0xa5: {  	s26 =	simm.s32 $execute0_lowered;
	[smem:$0x3FD2] =	sst s25  }
0xa6: {  	s4 =	sshll.u32 s26, $0x1;
	_ =	strace $0x80000052;
	[dreg:$0x1] =	wrdreg $0xFFFFFFFF  }
0xa7: {  	s28 =	simm.s32 $_size_execute0_lowered;
	s2 =	sadd.s32 s2, s4;
	[dreg:$0x0] =	wrdreg $0x0  }
0xa8: {  	s4 =	sshll.u32 s28, $0x1;
	[dreg:$0x2] =	wrdreg s2  }
0xa9: {  	[dreg:$0x3] =	wrdreg s4  }
0xaa: {  	[dreg:$0x4] =	wrdreg $0xC0  }
0xab: {  	_ =	task [dreg:s6], $0x5FFFF  }
0xac: {  	[dreg:$0x1] =	wrdreg $0xFFFFFFFF  }
0xad: {  	[dreg:$0x0] =	wrdreg $0x60  }
0xae: {  	[dreg:$0x2] =	wrdreg s24  }
0xaf: {  	[dreg:$0x3] =	wrdreg $0x9  }
0xb0: {  	_ =	task.clear_ibuf [dreg:s6], $0x4FFFF;
	_ =	strace $0x90000052  }
0xb1: {  	s29 =	simm.s32 $0x9;
	_ =	strace $0x80000054  }
0xb2: {  	_ =	swait.ge [sflag:s29], $0x1  }
0xb3: {  	[sflag:s29] =	ssyncadd.s32 $0xFFFFFFFF  }
0xb4: {  	_ =	strace $0x90000054  }
0xb5: {  	_ =	sfence  }
0xb6: {  	s30 =	sld [smem:$0x0];
	_ =	sdelay $0x2  }
0xb7: {  	s31 =	sshll.u32 s1, $0xD;
	s1 =	sshrl.u32 s1, $0x2  }
0xb8: {  	s3 =	sand.u32 $0x4000, s31;
	s1 =	sadd.s32 s1, s30  }
0xb9: {  	s0 =	sor.u32 s3, s0;
	s1 =	sshll.u32 s1, $0x11  }
0xba: {  	s0 =	sor.u32 s1, s0  }
0xbb: {  	s0 =	sadd.s32 $0x8F2B, s0  }
0xbc: {  	[sflag:s0] =	ssyncadd.remote.s32 $0x1  }
0xbd: {  	_ =	sfence.sel $0xFFFF  }
0xbe: {  	[dreg:$0x0] =	wrdreg $0xFFFFFFFF;
	(pc) =	sbr.abs _section_cstart, $3  }
0xbf: {  	[dreg:$0x1] =	wrdreg $0xFFFFFFFF  }
0xc0: {  	_ =	task.clear_ibuf [dreg:s6], $0x2FFFF;
	_ =	strace $0x9FFFFFFF  }
0xc1: {  	(tm) =	ssettm $0x7FFFFFFF  }
tec
execute0_lowered:
.L_overlay_start_1:
0x0: {  	(tag) =	ssettag $0x1  }
0x1: {  	s1 =	srdreg.scid;
	s0 =	stileid.u32  }
0x2: {  	s12 =	sand.u32 $0x1, s1;
	s29 =	sshll.u32 s0, $0x1  }
0x3: {  	s8 =	sor.u32 s12, s29  }
0x4: {  	s2 =	rddreg [dreg:$0x0];
	s11 =	smul.u32 $0x600, s8  }
0x5: {  	s3 =	simm.s32 $0x0;
	s1 =	rddreg [dreg:$0x1]  }
0x6: {  	[smem:$0x7FF] =	sst s3;
	s13 =	sadd.s32 $0x63000, s2;
	s4 =	sshrl.u32 s11, $0x3  }
0x7: {  	_ =	strace $0x80000053;
	s5 =	sadd.s32 s13, s4;
	s4 =	simm.s32 $0x2  }
0x8: {  	[tilespmem:s3], [sflag:$0x2] =	stream.linear.gather [hbm4b:s5+s3], $0x200, $0x38;
	[tilespmem:$0x10200] =	vst v63  }
0x9: {  	_ =	swait.ge [sflag:s4], $0x200  }
0xa: {  	[sflag:s4] =	ssyncset.done $0x0  }
0xb: {  	s6 =	simm.s32 $0x200;
	s7 =	simm.s32 $0x1;
	[sflag:s4] =	ssyncadd.s32 $0xFFFFFE00  }
0xc: {  	[tilespmem:s6], [sflag:$0x1] =	stream.indirect.gather [hbm4b:s2+s6], $0x80, s3, s6, $0xb8;
	[tilespmem:$0x10200] =	vst v63  }
0xd: {  	s8 =	smul.u32 $0x6000, s8;
	_ =	swait.ge [sflag:s7], $0x10000  }
0xe: {  	s14 =	sadd.s32 $0x64800, s2;
	[sflag:s7] =	ssyncset.done $0x0  }
0xf: {  	s8 =	sadd.s32 s14, s8;
	[sflag:s7] =	ssyncadd.s32 $0xFFFF0000  }
0x10: {  	[hbm4b:s8+s3] =	stream.linear.scatter [tilespmem:s6], [sflag:$0x2], $0x10000, $0x38;
	[tilespmem:$0x10200] =	vst v63  }
0x11: {  	s10 =	sadd.s32 $0x200, s11;
	_ =	swait.ge [sflag:s4], $0x10000  }
0x12: {  	s9 =	sshrl.u32 s10, $0x3;
	[sflag:s4] =	ssyncset.done $0x0  }
0x13: {  	s9 =	sadd.s32 s13, s9;
	[sflag:s4] =	ssyncadd.s32 $0xFFFF0000  }
0x14: {  	[tilespmem:s3], [sflag:$0x2] =	stream.linear.gather [hbm4b:s9+s3], $0x200, $0x38;
	[tilespmem:$0x10200] =	vst v63  }
0x15: {  	_ =	swait.ge [sflag:s4], $0x200  }
0x16: {  	[sflag:s4] =	ssyncset.done $0x0  }
0x17: {  	[sflag:s4] =	ssyncadd.s32 $0xFFFFFE00  }
0x18: {  	[tilespmem:s6], [sflag:$0x1] =	stream.indirect.gather [hbm4b:s2+s6], $0x80, s3, s6, $0xb8;
	[tilespmem:$0x10200] =	vst v63  }
0x19: {  	_ =	swait.ge [sflag:s7], $0x10000  }
0x1a: {  	s10 =	sshll.u32 s10, $0x4;
	[sflag:s7] =	ssyncset.done $0x0  }
0x1b: {  	s10 =	sadd.s32 s14, s10;
	[sflag:s7] =	ssyncadd.s32 $0xFFFF0000  }
0x1c: {  	[hbm4b:s10+s3] =	stream.linear.scatter [tilespmem:s6], [sflag:$0x2], $0x10000, $0x38;
	[tilespmem:$0x10200] =	vst v63  }
0x1d: {  	s15 =	sadd.s32 $0x400, s11;
	_ =	swait.ge [sflag:s4], $0x10000  }
0x1e: {  	s11 =	sshrl.u32 s15, $0x3;
	[sflag:s4] =	ssyncset.done $0x0  }
0x1f: {  	s12 =	ssub.s32 $0x2, s12;
	s11 =	sadd.s32 s13, s11;
	[sflag:s4] =	ssyncadd.s32 $0xFFFF0000  }
0x20: {  	[tilespmem:s3], [sflag:$0x2] =	stream.linear.gather [hbm4b:s11+s3], $0x200, $0x38;
	[tilespmem:$0x10200] =	vst v63  }
0x21: {  	s30 =	sshrl.u32 s12, $0x1;
	_ =	swait.ge [sflag:s4], $0x200  }
0x22: {  	s13 =	ssub.s32 s12, s30;
	[sflag:s4] =	ssyncset.done $0x0  }
0x23: {  	s13 =	smax.u32 s13, $0x1;
	[sflag:s4] =	ssyncadd.s32 $0xFFFFFE00  }
0x24: {  	[tilespmem:s6], [sflag:$0x1] =	stream.indirect.gather [hbm4b:s2+s6], $0x80, s3, s6, $0xb8;
	[tilespmem:$0x10200] =	vst v63  }
0x25: {  	p0 =	sne.s32 s13, $0x1;
	_ =	swait.ge [sflag:s7], $0x10000  }
.Ltmp0:
0x26: {  	s31 =	sshll.u32 s15, $0x4;
	[sflag:s7] =	ssyncset.done $0x0;
	(pc) =	sbr.rel @!p0 .LBB2_2-.Ltmp0, $4  }
0x27: {  	s12 =	sadd.s32 s14, s31;
	[sflag:s7] =	ssyncadd.s32 $0xFFFF0000  }
0x28: {  	[hbm4b:s12+s3] =	stream.linear.scatter [tilespmem:s6], [sflag:$0x2], $0x10000, $0x38;
	[tilespmem:$0x10200] =	vst v63  }
0x29: {  	_ =	swait.ge [sflag:s4], $0x10000  }
0x2a: {  	s13 =	sadd.s32 $0xFFFFFFFF, s13;
	[sflag:s4] =	ssyncset.done $0x0  }
.LBB2_1:
0x2b: {  	p0 =	sne.s32 s13, $0x1;
	s13 =	sadd.s32 $0xFFFFFFFF, s13;
	[sflag:s4] =	ssyncadd.s32 $0xFFFF0000  }
0x2c: {  	[tilespmem:s3], [sflag:$0x2] =	stream.linear.gather [hbm4b:s5+s3], $0x200, $0x38;
	[tilespmem:$0x10200] =	vst v63  }
0x2d: {  	_ =	swait.ge [sflag:s4], $0x200  }
0x2e: {  	[sflag:s4] =	ssyncset.done $0x0  }
0x2f: {  	[sflag:s4] =	ssyncadd.s32 $0xFFFFFE00  }
0x30: {  	[tilespmem:s6], [sflag:$0x1] =	stream.indirect.gather [hbm4b:s2+s6], $0x80, s3, s6, $0xb8;
	[tilespmem:$0x10200] =	vst v63  }
0x31: {  	_ =	swait.ge [sflag:s7], $0x10000  }
0x32: {  	[sflag:s7] =	ssyncset.done $0x0  }
0x33: {  	[sflag:s7] =	ssyncadd.s32 $0xFFFF0000  }
0x34: {  	[hbm4b:s8+s3] =	stream.linear.scatter [tilespmem:s6], [sflag:$0x2], $0x10000, $0x38;
	[tilespmem:$0x10200] =	vst v63  }
0x35: {  	_ =	swait.ge [sflag:s4], $0x10000  }
0x36: {  	[sflag:s4] =	ssyncset.done $0x0  }
0x37: {  	[sflag:s4] =	ssyncadd.s32 $0xFFFF0000  }
0x38: {  	[tilespmem:s3], [sflag:$0x2] =	stream.linear.gather [hbm4b:s9+s3], $0x200, $0x38;
	[tilespmem:$0x10200] =	vst v63  }
0x39: {  	_ =	swait.ge [sflag:s4], $0x200  }
0x3a: {  	[sflag:s4] =	ssyncset.done $0x0  }
0x3b: {  	[sflag:s4] =	ssyncadd.s32 $0xFFFFFE00  }
0x3c: {  	[tilespmem:s6], [sflag:$0x1] =	stream.indirect.gather [hbm4b:s2+s6], $0x80, s3, s6, $0xb8;
	[tilespmem:$0x10200] =	vst v63  }
0x3d: {  	_ =	swait.ge [sflag:s7], $0x10000  }
0x3e: {  	[sflag:s7] =	ssyncset.done $0x0  }
0x3f: {  	[sflag:s7] =	ssyncadd.s32 $0xFFFF0000  }
0x40: {  	[hbm4b:s10+s3] =	stream.linear.scatter [tilespmem:s6], [sflag:$0x2], $0x10000, $0x38;
	[tilespmem:$0x10200] =	vst v63  }
0x41: {  	_ =	swait.ge [sflag:s4], $0x10000  }
0x42: {  	[sflag:s4] =	ssyncset.done $0x0  }
0x43: {  	[sflag:s4] =	ssyncadd.s32 $0xFFFF0000  }
0x44: {  	[tilespmem:s3], [sflag:$0x2] =	stream.linear.gather [hbm4b:s11+s3], $0x200, $0x38;
	[tilespmem:$0x10200] =	vst v63  }
0x45: {  	_ =	swait.ge [sflag:s4], $0x200  }
0x46: {  	[sflag:s4] =	ssyncset.done $0x0  }
0x47: {  	[sflag:s4] =	ssyncadd.s32 $0xFFFFFE00  }
0x48: {  	[tilespmem:s6], [sflag:$0x1] =	stream.indirect.gather [hbm4b:s2+s6], $0x80, s3, s6, $0xb8;
	[tilespmem:$0x10200] =	vst v63  }
0x49: {  	_ =	swait.ge [sflag:s7], $0x10000  }
.Ltmp1:
0x4a: {  	[sflag:s7] =	ssyncset.done $0x0;
	(pc) =	sbr.rel @p0 .LBB2_1-.Ltmp1, $4  }
0x4b: {  	[sflag:s7] =	ssyncadd.s32 $0xFFFF0000  }
0x4c: {  	[hbm4b:s12+s3] =	stream.linear.scatter [tilespmem:s6], [sflag:$0x2], $0x10000, $0x38;
	[tilespmem:$0x10200] =	vst v63  }
0x4d: {  	_ =	swait.ge [sflag:s4], $0x10000  }
0x4e: {  	[sflag:s4] =	ssyncset.done $0x0  }
.LBB2_2:
0x4f: {  	[sflag:s4] =	ssyncadd.s32 $0xFFFF0000  }
0x50: {  	_ =	sfence.sel $0x180000  }
0x51: {  	[bflag:$0x0] =	sbarrier.arrive $0xFFFF  }
0x52: {  	p0 =	sne.s32 s0, $0x0;
	_ =	strace $0x90000053  }
0x53: {  	s0 =	sadd.s32 @!p0 $0x100000, s1;
	[bflag:$0x2] =	sbarrier.arrive $0xFFFF  }
0x54: {  	[sflag:s0] =	ssyncadd.tile.s32 @!p0 $0x1;
	_ =	shalt  }
.Lfunc_end2:
_tile_overlayer_lowered:
.L_overlay_start_2:
0x55: {  	(tag) =	ssettag $0x2  }
0x56: {  	s0 =	rddreg [dreg:$0x0];
	s2 =	stileid.u32  }
0x57: {  	s1 =	rddreg [dreg:$0x1];
	p0 =	sne.s32 s2, $0x0  }
0x58: {  	s3 =	rddreg [dreg:$0x2];
	[bflag:$0x3] =	sbarrier.arrive $0xFFFF;
	s2 =	simm.s32 @!p0 $0x1C02  }
0x59: {  	[timem:s3], [sflag:s2] =	dma.local @!p0 [hbm:s0], s1  }
0x5a: {  	s0 =	simm.s32 @!p0 $0x2  }
0x5b: {  	_ =	swait.ge @!p0 [sflag:s0], s1  }
0x5c: {  	s1 =	ssub.s32 @!p0 $0x0, s1;
	[sflag:s0] =	ssyncset.done @!p0 $0x0  }
0x5d: {  	[sflag:s0] =	ssyncadd.s32 @!p0 s1  }
0x5e: {  	[bflag:$0x3] =	sbarrier.arrive $0xFFFF  }
0x5f: {  	_ =	shalt  }

// kernel: kernel.6.cloned.1.call-start
scs
__scs_entry_jumppad:
0x0: {  	(pc) =	sbr.rel $0x88, $3  }
0x1: {  	(tag) =	ssettag $0x0;
	lr =	simm.s32 $0x1  }
0x2: {  	[smem:$0x3F71] =	sst lr;
	_ =	strace $0xD0000000  }
0x3: {  	_ = 	snop  }
0x4: {  	_ = 	snop  }
0x5: {  	_ = 	snop  }
0x6: {  	_ = 	snop  }
0x7: {  	_ = 	snop  }
__scs_overlays_trampoline_lowered:
0x8: {  	[smem:$0x3F80] =	sst s0  }
0x9: {  	[smem:$0x3F81] =	sst s1  }
0xa: {  	[smem:$0x3F82] =	sst s2  }
0xb: {  	[smem:$0x3F83] =	sst s3  }
0xc: {  	[smem:$0x3F84] =	sst s4  }
0xd: {  	[smem:$0x3F85] =	sst s5  }
0xe: {  	[smem:$0x3F86] =	sst s6  }
0xf: {  	[smem:$0x3F87] =	sst s7  }
0x10: {  	[smem:$0x3F88] =	sst s8  }
0x11: {  	[smem:$0x3F89] =	sst s9;
	s0 =	simm.s32 @!p0 $0x0  }
0x12: {  	s1 =	sld [smem:$0x3F6F];
	s0 =	simm.s32 @p0 $0x1  }
0x13: {  	[smem:$0x3F8A] =	sst s0;
	s0 =	simm.s32 @!p1 $0x0  }
0x14: {  	s2 =	sld [smem:$0x3F6E];
	s0 =	simm.s32 @p1 $0x1  }
0x15: {  	[smem:$0x3F8B] =	sst s0;
	s0 =	simm.s32 @!p2 $0x0  }
0x16: {  	s3 =	sld [smem:$0x3FDB];
	s0 =	simm.s32 @p2 $0x1  }
0x17: {  	s4 =	simm.s32 $0x1BF5;
	[smem:$0x3F8D] =	sst s0  }
0x18: {  	s0 =	sld [smem:$0x3F70];
	_ =	swait.ge [sflag:s4], $0x0  }
0x19: {  	s7 =	sld [smem:$0x3F71]  }
0x1a: {  	s8 =	sadd.s32 $0xFFFFE003, lr  }
0x1b: {  	s9 =	sadd.s32 $0xFFFFFEF7, lr;
	s5 =	simm.s32 $0xFFFFFFFF;
	p2 =	slt.u32 s8, $0xFFFFF086  }
0x1c: {  	p1 =	slt.u32 s9, $0xF7A;
	s5 =	simm.s32 @!p2 $0x0  }
0x1d: {  	s5 =	simm.s32 @p1 $0x1;
	p0 =	seq.s32 s7, s2  }
0x1e: {  	s7 =	smul.u32 @!p0 $0xF7A, s2;
	p2 =	seq.s32 @!p0 s5, $0x0  }
0x1f: {  	s9 =	smul.u32 $0xF7A, s1;
	s8 =	simm.s32 @!p0 $0x1BF5;
	p2 =	por !p2, p0  }
0x20: {  	[sflag:s8] =	ssyncset.s32 @!p0 $0xFFFFF086;
	s6 =	sadd.s32 @!p0 s3, s7;
	s7 =	simm.s32 @!p0 $0x108  }
0x21: {  	s3 =	sadd.s32 s3, s9;
	s6 =	sadd.s32 @!p0 $0x88, s6;
	s7 =	simm.s32 @p2 $0x1082  }
0x22: {  	[simem:s7], [sflag:s8] =	dma.local @!p0 [hbm:s6], $0xF7A  }
0x23: {  	s9 =	sor.u32 $0xD0000000, s2;
	s6 =	simm.s32 $0x108;
	_ =	swait.ge @!p0 [sflag:s8], $0x0  }
0x24: {  	s3 =	sadd.s32 $0x88, s3;
	s6 =	simm.s32 @!p1 $0x1082;
	[sflag:s4] =	ssyncset.s32 $0xFFFFF086  }
0x25: {  	[simem:s6], [sflag:s4] =	dma.local [hbm:s3], $0xF7A  }
0x26: {  	[smem:$0x3F71] =	sst s1;
	(tag) =	ssettag s2;
	_ =	strace s9  }
0x27: {  	s1 =	sld [smem:$0x3F81]  }
0x28: {  	s2 =	sld [smem:$0x3F82]  }
0x29: {  	s4 =	sld [smem:$0x3F84]  }
0x2a: {  	p0 =	seq.s32 s5, $0x0;
	s5 =	sld [smem:$0x3F85]  }
0x2b: {  	s6 =	sld [smem:$0x3F86]  }
0x2c: {  	s7 =	sld [smem:$0x3F87]  }
0x2d: {  	s3 =	simm.s32 $0x108;
	s8 =	sld [smem:$0x3F88]  }
0x2e: {  	s3 =	simm.s32 @!p0 $0x1082;
	s9 =	sld [smem:$0x3F89]  }
0x2f: {  	lr =	sadd.s32 s0, s3;
	s0 =	sld [smem:$0x3F80]  }
0x30: {  	s3 =	sld [smem:$0x3F83]  }
0x31: {  	[smem:$0x3F8C] =	sst s10  }
0x32: {  	s10 =	sld [smem:$0x3F8A];
	_ =	sdelay $0x3  }
0x33: {  	p0 =	seq.s32 s10, $0x1;
	s10 =	sld [smem:$0x3F8C];
	_ =	sdelay $0x3  }
0x34: {  	[smem:$0x3F8C] =	sst s10  }
0x35: {  	s10 =	sld [smem:$0x3F8B];
	_ =	sdelay $0x3  }
0x36: {  	p1 =	seq.s32 s10, $0x1;
	s10 =	sld [smem:$0x3F8C];
	_ =	sdelay $0x3  }
0x37: {  	[smem:$0x3F8C] =	sst s10  }
0x38: {  	s10 =	sld [smem:$0x3F8D]  }
0x39: {  	_ = 	snop;
	(pc) =	sbr.ind lr, $3  }
0x3a: {  	_ = 	snop  }
0x3b: {  	_ = 	snop  }
0x3c: {  	p2 =	seq.s32 s10, $0x1;
	s10 =	sld [smem:$0x3F8C]  }
0x3d: {  	_ =	shalt  }
0x3e: {  	_ =	shalt  }
0x3f: {  	_ =	shalt  }
0x40: {  	_ =	shalt  }
0x41: {  	_ =	shalt  }
0x42: {  	_ =	shalt  }
0x43: {  	_ =	shalt  }
0x44: {  	_ =	shalt  }
0x45: {  	_ =	shalt  }
0x46: {  	_ =	shalt  }
0x47: {  	_ =	shalt  }
0x48: {  	_ =	shalt  }
0x49: {  	_ =	shalt  }
0x4a: {  	_ =	shalt  }
0x4b: {  	_ =	shalt  }
0x4c: {  	_ =	shalt  }
0x4d: {  	_ =	shalt  }
0x4e: {  	_ =	shalt  }
0x4f: {  	_ =	shalt  }
0x50: {  	_ =	shalt  }
0x51: {  	_ =	shalt  }
0x52: {  	_ =	shalt  }
0x53: {  	_ =	shalt  }
0x54: {  	_ =	shalt  }
0x55: {  	_ =	shalt  }
0x56: {  	_ =	shalt  }
0x57: {  	_ =	shalt  }
0x58: {  	_ =	shalt  }
0x59: {  	_ =	shalt  }
0x5a: {  	_ =	shalt  }
0x5b: {  	_ =	shalt  }
0x5c: {  	_ =	shalt  }
0x5d: {  	_ =	shalt  }
0x5e: {  	_ =	shalt  }
0x5f: {  	_ =	shalt  }
0x60: {  	_ =	shalt  }
0x61: {  	_ =	shalt  }
0x62: {  	_ =	shalt  }
0x63: {  	_ =	shalt  }
0x64: {  	_ =	shalt  }
0x65: {  	_ =	shalt  }
0x66: {  	_ =	shalt  }
0x67: {  	_ =	shalt  }
0x68: {  	_ =	shalt  }
0x69: {  	_ =	shalt  }
0x6a: {  	_ =	shalt  }
0x6b: {  	_ =	shalt  }
0x6c: {  	_ =	shalt  }
0x6d: {  	_ =	shalt  }
0x6e: {  	_ =	shalt  }
0x6f: {  	_ =	shalt  }
0x70: {  	_ =	shalt  }
0x71: {  	_ =	shalt  }
0x72: {  	_ =	shalt  }
0x73: {  	_ =	shalt  }
0x74: {  	_ =	shalt  }
0x75: {  	_ =	shalt  }
0x76: {  	_ =	shalt  }
0x77: {  	_ =	shalt  }
0x78: {  	_ =	shalt  }
0x79: {  	_ =	shalt  }
0x7a: {  	_ =	shalt  }
0x7b: {  	_ =	shalt  }
0x7c: {  	_ =	shalt  }
0x7d: {  	_ =	shalt  }
0x7e: {  	_ =	shalt  }
0x7f: {  	_ =	shalt  }
0x80: {  	_ =	shalt  }
0x81: {  	_ =	shalt  }
0x82: {  	_ =	shalt  }
0x83: {  	_ =	shalt  }
0x84: {  	_ =	shalt  }
0x85: {  	_ =	shalt  }
0x86: {  	_ =	shalt  }
0x87: {  	_ =	shalt  }
.Lfunc_end0:
.L_simem_size_0:
called_computation.1_lowered:
.L_overlay_start_0:
0x88: {  	s2 =	sld [smem:$0x3FD9]  }
0x89: {  	s3 =	sld [smem:$0x3FFE];
	_ =	sdelay $0x1  }
0x8a: {  	s1 =	srdreg.scid  }
0x8b: {  	s0 =	sand.u32 $0x1, s1  }
0x8c: {  	s17 =	sshll.u32 s0, $0xA;
	s2 =	sadd.s32 s3, s2  }
0x8d: {  	s2 =	sadd.s32 s2, s17  }
0x8e: {  	[smem:$0x3F98] =	sst s2  }
0x8f: {  	_ = 	snop  }
0x90: {  	s2 =	sld [smem:$0x3FD0];
	(tm) =	ssettm $0x1  }
0x91: {  	s18 =	sld [smem:$0x3FFB];
	_ =	sdelay $0x3  }
0x92: {  	_ =	strace s18  }
0x93: {  	s3 =	sld [smem:$0x3FFC];
	_ =	sdelay $0x3  }
0x94: {  	_ =	strace s3  }
0x95: {  	s3 =	sld [smem:$0x3FFD];
	_ =	sdelay $0x3  }
0x96: {  	_ =	strace s3  }
0x97: {  	_ =	strace $0x8FFFFFFF  }
0x98: {  	s19 =	sld [smem:$0x3FDB];
	_ =	sdelay $0x1  }
0x99: {  	s4 =	simm.s32 $_scs_section_size  }
0x9a: {  	s5 =	simm.s32 $_size__tile_overlayer_lowered;
	s6 =	simm.s32 $_tile_overlayer_lowered  }
0x9b: {  	s22 =	simm.s32 $0x1BFF;
	s21 =	sshll.u32 s6, $0x1;
	s3 =	sadd.s32 s4, s19  }
0x9c: {  	s7 =	simm.s32 $0x0;
	s20 =	sshll.u32 s5, $0x1;
	s5 =	sadd.s32 s21, s3  }
0x9d: {  	[timem:s7], [sflag:s22] =	dma.local [hbm:s5], s20  }
0x9e: {  	_ =	swait.ge [sflag:s22], s20  }
0x9f: {  	s4 =	ssub.s32 $0x0, s20;
	[sflag:s22] =	ssyncset.done $0x0  }
0xa0: {  	[sflag:s22] =	ssyncadd.s32 s4;
	_ =	sdelay $0x1  }
0xa1: {  	s23 =	simm.s32 $0x1B8B  }
0xa2: {  	_ =	swait.ge [sflag:s23], $0x1  }
0xa3: {  	[sflag:s23] =	ssyncset.done $0x0  }
0xa4: {  	s25 =	simm.s32 $0x1B8E;
	s24 =	sld [smem:$0x3FFE];
	[sflag:s23] =	ssyncadd.s32 $0xFFFFFFFF  }
0xa5: {  	s26 =	simm.s32 $execute0_lowered;
	[smem:$0x3FD2] =	sst s25  }
0xa6: {  	s5 =	sshll.u32 s26, $0x1;
	_ =	strace $0x80000049;
	[dreg:$0x1] =	wrdreg $0xFFFFFFFF  }
0xa7: {  	s28 =	simm.s32 $_size_execute0_lowered;
	s3 =	sadd.s32 s3, s5;
	[dreg:$0x0] =	wrdreg $0x0  }
0xa8: {  	s5 =	sshll.u32 s28, $0x1;
	[dreg:$0x2] =	wrdreg s3  }
0xa9: {  	[dreg:$0x3] =	wrdreg s5  }
0xaa: {  	[dreg:$0x4] =	wrdreg $0xC0  }
0xab: {  	_ =	task [dreg:s7], $0x5FFFF  }
0xac: {  	[dreg:$0x1] =	wrdreg $0xFFFFFFFF  }
0xad: {  	[dreg:$0x0] =	wrdreg $0x60  }
0xae: {  	[dreg:$0x2] =	wrdreg s2  }
0xaf: {  	[dreg:$0x3] =	wrdreg s24  }
0xb0: {  	[dreg:$0x4] =	wrdreg $0x9  }
0xb1: {  	_ =	task.clear_ibuf [dreg:s7], $0x5FFFF;
	_ =	strace $0x90000049  }
0xb2: {  	s29 =	simm.s32 $0x9;
	_ =	strace $0x8000004B  }
0xb3: {  	_ =	swait.ge [sflag:s29], $0x1  }
0xb4: {  	[sflag:s29] =	ssyncadd.s32 $0xFFFFFFFF  }
0xb5: {  	_ =	strace $0x9000004B  }
0xb6: {  	_ =	sfence  }
0xb7: {  	s30 =	sld [smem:$0x0];
	_ =	sdelay $0x2  }
0xb8: {  	s31 =	sshll.u32 s1, $0xD;
	s1 =	sshrl.u32 s1, $0x2  }
0xb9: {  	s3 =	sand.u32 $0x4000, s31;
	s1 =	sadd.s32 s1, s30  }
0xba: {  	s0 =	sor.u32 s3, s0;
	s1 =	sshll.u32 s1, $0x11  }
0xbb: {  	s0 =	sor.u32 s1, s0  }
0xbc: {  	s0 =	sadd.s32 $0x8F2B, s0  }
0xbd: {  	[sflag:s0] =	ssyncadd.remote.s32 $0x1  }
0xbe: {  	_ =	sfence.sel $0xFFFF  }
0xbf: {  	[dreg:$0x0] =	wrdreg $0xFFFFFFFF;
	(pc) =	sbr.abs _section_cstart, $3  }
0xc0: {  	[dreg:$0x1] =	wrdreg $0xFFFFFFFF  }
0xc1: {  	_ =	task.clear_ibuf [dreg:s7], $0x2FFFF;
	_ =	strace $0x9FFFFFFF  }
0xc2: {  	(tm) =	ssettm $0x7FFFFFFF  }
0xc3: {  	_ =	shalt  }
tec
execute0_lowered:
.L_overlay_start_1:
0x0: {  	(tag) =	ssettag $0x1  }
0x1: {  	s1 =	srdreg.scid  }
0x2: {  	s0 =	stileid.u32;
	s2 =	rddreg [dreg:$0x0]  }
0x3: {  	s5 =	rddreg [dreg:$0x1];
	s3 =	simm.s32 $0x0;
	s9 =	simm.s32 $0x80  }
0x4: {  	s10 =	simm.s32 $0x880;
	s11 =	simm.s32 $0x1080;
	s12 =	simm.s32 $0x1880  }
0x5: {  	s13 =	simm.s32 $0x2080;
	s4 =	sand.u32 $0x1, s1;
	s31 =	sshll.u32 s0, $0x1  }
0x6: {  	s14 =	simm.s32 $0x2880;
	s15 =	simm.s32 $0x1;
	s6 =	sor.u32 s4, s31  }
0x7: {  	s1 =	rddreg [dreg:$0x2];
	s4 =	ssub.s32 $0x2, s4;
	s7 =	smul.u32 $0x3, s6  }
0x8: {  	[smem:$0x7FF] =	sst s3;
	s6 =	smul.u32 $0x600, s6;
	s8 =	sshrl.u32 s4, $0x1  }
0x9: {  	v2 =	vlaneseq.u32;
	_ =	strace $0x8000004A;
	s8 =	ssub.s32 s4, s8;
	s7 =	sadd.s32 s7, s5  }
0xa: {  	vm0 =	vmmov $0xffff;
	v1 =	vshrl.u32 v2, $0x3;
	s6 =	sadd.s32 s6, s5;
	s5 =	sadd.s32 $0x100, s2;
	s4 =	sadd.s32 $0x7B800, s7  }
0xb: {  	v0 =	vand.u32 $0x7, v2;
	v2 =	vor.u32 $0x8, v2;
	v1 =	vmul.u32 $0x8, v1;
	s6 =	sadd.s32 $0x63000, s6;
	s7 =	smax.u32 s8, $0x1;
	s8 =	simm.s32 $0x2  }
.LBB2_1:
0xc: {  	[tilespmem:s3], [sflag:$0x2] =	stream.linear.gather [hbm4b:s4+s3], $0x18, $0x38;
	[tilespmem:$0x3080] =	vst v63  }
0xd: {  	_ =	swait.ge [sflag:s8], $0x18  }
0xe: {  	[sflag:s8] =	ssyncset.done $0x0  }
0xf: {  	[sflag:s8] =	ssyncadd.s32 $0xFFFFFFE8  }
0x10: {  	v3 =	vld [tilespmem:$0x0];
	_ =	sdelay $0x4  }
0x11: {  	v4 =	vshll.u32 v3, $0x2  }
0x12: {  	v3 =	vand.u32 $0x7, v3;
	v4 =	vand.u32 $0xFFFFFFE0, v4  }
0x13: {  	v3 =	vor.u32 v3, v4  }
0x14: {  	v4 =	vperm.xlane v3, v0;
	_ =	sdelay $0x1  }
0x15: {  	v4 =	vadd.s32 v1, v4;
	_ =	sdelay $0x1  }
0x16: {  	v3 =	vperm.xlane v3, v2;
	_ =	sdelay $0x1  }
0x17: {  	v3 =	vadd.s32 v1, v3  }
0x18: {  	[tilespmem:s9], [sflag:$0x1] =	stream.indirect_vreg.gather [hbm4b:s2+s3], $0x80, v4, vm0, $0xb8;
	[tilespmem:$0x3080] =	vst v63  }
0x19: {  	_ = 	snop  }
0x1a: {  	[tilespmem:s10], [sflag:$0x1] =	stream.indirect_vreg.gather [hbm4b:s5+s3], $0x80, v4, vm0, $0xb8;
	[tilespmem:$0x3080] =	vst v63  }
0x1b: {  	_ = 	snop  }
0x1c: {  	[tilespmem:s11], [sflag:$0x1] =	stream.indirect_vreg.gather [hbm4b:s2+s3], $0x80, v3, vm0, $0xb8;
	[tilespmem:$0x3080] =	vst v63  }
0x1d: {  	_ = 	snop  }
0x1e: {  	[tilespmem:s12], [sflag:$0x1] =	stream.indirect_vreg.gather [hbm4b:s5+s3], $0x80, v3, vm0, $0xb8;
	[tilespmem:$0x3080] =	vst v63  }
0x1f: {  	v3 =	vld.msk [tilespmem:$0x10], $0xff;
	_ =	sdelay $0x4  }
0x20: {  	v63 =	vshll.u32 v3, $0x2  }
0x21: {  	v3 =	vand.u32 $0x7, v3;
	v4 =	vand.u32 $0xFFFFFFE0, v63  }
0x22: {  	v3 =	vor.u32 v3, v4  }
0x23: {  	v3 =	vperm.xlane v3, v0;
	_ =	sdelay $0x1  }
0x24: {  	v3 =	vadd.s32 v1, v3;
	_ =	sdelay $0x4  }
0x25: {  	[tilespmem:s13], [sflag:$0x1] =	stream.indirect_vreg.gather [hbm4b:s2+s3], $0x80, v3, vm0, $0xb8;
	[tilespmem:$0x3080] =	vst v63  }
0x26: {  	_ = 	snop  }
0x27: {  	[tilespmem:s14], [sflag:$0x1] =	stream.indirect_vreg.gather [hbm4b:s5+s3], $0x80, v3, vm0, $0xb8;
	[tilespmem:$0x3080] =	vst v63  }
0x28: {  	_ =	swait.ge [sflag:s15], $0x3000  }
0x29: {  	p0 =	sne.s32 s7, $0x1;
	[sflag:s15] =	ssyncset.done $0x0  }
.Ltmp0:
0x2a: {  	[sflag:s15] =	ssyncadd.s32 $0xFFFFD000;
	(pc) =	sbr.rel @p0 .LBB2_1-.Ltmp0, $4  }
0x2b: {  	[hbm4b:s6+s3] =	stream.linear.scatter [tilespmem:s9], [sflag:$0x2], $0x3000, $0x38;
	[tilespmem:$0x3080] =	vst v63  }
0x2c: {  	_ =	swait.ge [sflag:s8], $0x3000  }
0x2d: {  	[sflag:s8] =	ssyncset.done $0x0  }
0x2e: {  	s7 =	sadd.s32 $0xFFFFFFFF, s7;
	[sflag:s8] =	ssyncadd.s32 $0xFFFFD000  }
0x2f: {  	_ =	sfence.sel $0x180000  }
0x30: {  	[bflag:$0x0] =	sbarrier.arrive $0xFFFF  }
0x31: {  	p0 =	sne.s32 s0, $0x0;
	_ =	strace $0x9000004A  }
0x32: {  	s0 =	sadd.s32 @!p0 $0x100000, s1;
	[bflag:$0x2] =	sbarrier.arrive $0xFFFF  }
0x33: {  	[sflag:s0] =	ssyncadd.tile.s32 @!p0 $0x1;
	_ =	shalt  }
.Lfunc_end2:
_tile_overlayer_lowered:
.L_overlay_start_2:
0x34: {  	(tag) =	ssettag $0x2  }
0x35: {  	s0 =	rddreg [dreg:$0x0];
	s2 =	stileid.u32  }
0x36: {  	s1 =	rddreg [dreg:$0x1];
	p0 =	sne.s32 s2, $0x0  }
0x37: {  	s3 =	rddreg [dreg:$0x2];
	[bflag:$0x3] =	sbarrier.arrive $0xFFFF;
	s2 =	simm.s32 @!p0 $0x1C02  }
0x38: {  	[timem:s3], [sflag:s2] =	dma.local @!p0 [hbm:s0], s1  }
0x39: {  	s0 =	simm.s32 @!p0 $0x2  }
0x3a: {  	_ =	swait.ge @!p0 [sflag:s0], s1  }
0x3b: {  	s1 =	ssub.s32 @!p0 $0x0, s1;
	[sflag:s0] =	ssyncset.done @!p0 $0x0  }
0x3c: {  	[sflag:s0] =	ssyncadd.s32 @!p0 s1  }
0x3d: {  	[bflag:$0x3] =	sbarrier.arrive $0xFFFF  }
0x3e: {  	_ =	shalt  }

// kernel: kernel.9.cloned.1.call-start
scs
__scs_entry_jumppad:
0x0: {  	(pc) =	sbr.rel $0x88, $3  }
0x1: {  	(tag) =	ssettag $0x0;
	lr =	simm.s32 $0x1  }
0x2: {  	[smem:$0x3F71] =	sst lr;
	_ =	strace $0xD0000000  }
0x3: {  	_ = 	snop  }
0x4: {  	_ = 	snop  }
0x5: {  	_ = 	snop  }
0x6: {  	_ = 	snop  }
0x7: {  	_ = 	snop  }
__scs_overlays_trampoline_lowered:
0x8: {  	[smem:$0x3F80] =	sst s0  }
0x9: {  	[smem:$0x3F81] =	sst s1  }
0xa: {  	[smem:$0x3F82] =	sst s2  }
0xb: {  	[smem:$0x3F83] =	sst s3  }
0xc: {  	[smem:$0x3F84] =	sst s4  }
0xd: {  	[smem:$0x3F85] =	sst s5  }
0xe: {  	[smem:$0x3F86] =	sst s6  }
0xf: {  	[smem:$0x3F87] =	sst s7  }
0x10: {  	[smem:$0x3F88] =	sst s8  }
0x11: {  	[smem:$0x3F89] =	sst s9;
	s0 =	simm.s32 @!p0 $0x0  }
0x12: {  	s1 =	sld [smem:$0x3F6F];
	s0 =	simm.s32 @p0 $0x1  }
0x13: {  	[smem:$0x3F8A] =	sst s0;
	s0 =	simm.s32 @!p1 $0x0  }
0x14: {  	s2 =	sld [smem:$0x3F6E];
	s0 =	simm.s32 @p1 $0x1  }
0x15: {  	[smem:$0x3F8B] =	sst s0;
	s0 =	simm.s32 @!p2 $0x0  }
0x16: {  	s3 =	sld [smem:$0x3FDB];
	s0 =	simm.s32 @p2 $0x1  }
0x17: {  	s4 =	simm.s32 $0x1BF5;
	[smem:$0x3F8D] =	sst s0  }
0x18: {  	s0 =	sld [smem:$0x3F70];
	_ =	swait.ge [sflag:s4], $0x0  }
0x19: {  	s7 =	sld [smem:$0x3F71]  }
0x1a: {  	s8 =	sadd.s32 $0xFFFFE003, lr  }
0x1b: {  	s9 =	sadd.s32 $0xFFFFFEF7, lr;
	s5 =	simm.s32 $0xFFFFFFFF;
	p2 =	slt.u32 s8, $0xFFFFF086  }
0x1c: {  	p1 =	slt.u32 s9, $0xF7A;
	s5 =	simm.s32 @!p2 $0x0  }
0x1d: {  	s5 =	simm.s32 @p1 $0x1;
	p0 =	seq.s32 s7, s2  }
0x1e: {  	s7 =	smul.u32 @!p0 $0xF7A, s2;
	p2 =	seq.s32 @!p0 s5, $0x0  }
0x1f: {  	s9 =	smul.u32 $0xF7A, s1;
	s8 =	simm.s32 @!p0 $0x1BF5;
	p2 =	por !p2, p0  }
0x20: {  	[sflag:s8] =	ssyncset.s32 @!p0 $0xFFFFF086;
	s6 =	sadd.s32 @!p0 s3, s7;
	s7 =	simm.s32 @!p0 $0x108  }
0x21: {  	s3 =	sadd.s32 s3, s9;
	s6 =	sadd.s32 @!p0 $0x88, s6;
	s7 =	simm.s32 @p2 $0x1082  }
0x22: {  	[simem:s7], [sflag:s8] =	dma.local @!p0 [hbm:s6], $0xF7A  }
0x23: {  	s9 =	sor.u32 $0xD0000000, s2;
	s6 =	simm.s32 $0x108;
	_ =	swait.ge @!p0 [sflag:s8], $0x0  }
0x24: {  	s3 =	sadd.s32 $0x88, s3;
	s6 =	simm.s32 @!p1 $0x1082;
	[sflag:s4] =	ssyncset.s32 $0xFFFFF086  }
0x25: {  	[simem:s6], [sflag:s4] =	dma.local [hbm:s3], $0xF7A  }
0x26: {  	[smem:$0x3F71] =	sst s1;
	(tag) =	ssettag s2;
	_ =	strace s9  }
0x27: {  	s1 =	sld [smem:$0x3F81]  }
0x28: {  	s2 =	sld [smem:$0x3F82]  }
0x29: {  	s4 =	sld [smem:$0x3F84]  }
0x2a: {  	p0 =	seq.s32 s5, $0x0;
	s5 =	sld [smem:$0x3F85]  }
0x2b: {  	s6 =	sld [smem:$0x3F86]  }
0x2c: {  	s7 =	sld [smem:$0x3F87]  }
0x2d: {  	s3 =	simm.s32 $0x108;
	s8 =	sld [smem:$0x3F88]  }
0x2e: {  	s3 =	simm.s32 @!p0 $0x1082;
	s9 =	sld [smem:$0x3F89]  }
0x2f: {  	lr =	sadd.s32 s0, s3;
	s0 =	sld [smem:$0x3F80]  }
0x30: {  	s3 =	sld [smem:$0x3F83]  }
0x31: {  	[smem:$0x3F8C] =	sst s10  }
0x32: {  	s10 =	sld [smem:$0x3F8A];
	_ =	sdelay $0x3  }
0x33: {  	p0 =	seq.s32 s10, $0x1;
	s10 =	sld [smem:$0x3F8C];
	_ =	sdelay $0x3  }
0x34: {  	[smem:$0x3F8C] =	sst s10  }
0x35: {  	s10 =	sld [smem:$0x3F8B];
	_ =	sdelay $0x3  }
0x36: {  	p1 =	seq.s32 s10, $0x1;
	s10 =	sld [smem:$0x3F8C];
	_ =	sdelay $0x3  }
0x37: {  	[smem:$0x3F8C] =	sst s10  }
0x38: {  	s10 =	sld [smem:$0x3F8D]  }
0x39: {  	_ = 	snop;
	(pc) =	sbr.ind lr, $3  }
0x3a: {  	_ = 	snop  }
0x3b: {  	_ = 	snop  }
0x3c: {  	p2 =	seq.s32 s10, $0x1;
	s10 =	sld [smem:$0x3F8C]  }
0x3d: {  	_ =	shalt  }
0x3e: {  	_ =	shalt  }
0x3f: {  	_ =	shalt  }
0x40: {  	_ =	shalt  }
0x41: {  	_ =	shalt  }
0x42: {  	_ =	shalt  }
0x43: {  	_ =	shalt  }
0x44: {  	_ =	shalt  }
0x45: {  	_ =	shalt  }
0x46: {  	_ =	shalt  }
0x47: {  	_ =	shalt  }
0x48: {  	_ =	shalt  }
0x49: {  	_ =	shalt  }
0x4a: {  	_ =	shalt  }
0x4b: {  	_ =	shalt  }
0x4c: {  	_ =	shalt  }
0x4d: {  	_ =	shalt  }
0x4e: {  	_ =	shalt  }
0x4f: {  	_ =	shalt  }
0x50: {  	_ =	shalt  }
0x51: {  	_ =	shalt  }
0x52: {  	_ =	shalt  }
0x53: {  	_ =	shalt  }
0x54: {  	_ =	shalt  }
0x55: {  	_ =	shalt  }
0x56: {  	_ =	shalt  }
0x57: {  	_ =	shalt  }
0x58: {  	_ =	shalt  }
0x59: {  	_ =	shalt  }
0x5a: {  	_ =	shalt  }
0x5b: {  	_ =	shalt  }
0x5c: {  	_ =	shalt  }
0x5d: {  	_ =	shalt  }
0x5e: {  	_ =	shalt  }
0x5f: {  	_ =	shalt  }
0x60: {  	_ =	shalt  }
0x61: {  	_ =	shalt  }
0x62: {  	_ =	shalt  }
0x63: {  	_ =	shalt  }
0x64: {  	_ =	shalt  }
0x65: {  	_ =	shalt  }
0x66: {  	_ =	shalt  }
0x67: {  	_ =	shalt  }
0x68: {  	_ =	shalt  }
0x69: {  	_ =	shalt  }
0x6a: {  	_ =	shalt  }
0x6b: {  	_ =	shalt  }
0x6c: {  	_ =	shalt  }
0x6d: {  	_ =	shalt  }
0x6e: {  	_ =	shalt  }
0x6f: {  	_ =	shalt  }
0x70: {  	_ =	shalt  }
0x71: {  	_ =	shalt  }
0x72: {  	_ =	shalt  }
0x73: {  	_ =	shalt  }
0x74: {  	_ =	shalt  }
0x75: {  	_ =	shalt  }
0x76: {  	_ =	shalt  }
0x77: {  	_ =	shalt  }
0x78: {  	_ =	shalt  }
0x79: {  	_ =	shalt  }
0x7a: {  	_ =	shalt  }
0x7b: {  	_ =	shalt  }
0x7c: {  	_ =	shalt  }
0x7d: {  	_ =	shalt  }
0x7e: {  	_ =	shalt  }
0x7f: {  	_ =	shalt  }
0x80: {  	_ =	shalt  }
0x81: {  	_ =	shalt  }
0x82: {  	_ =	shalt  }
0x83: {  	_ =	shalt  }
0x84: {  	_ =	shalt  }
0x85: {  	_ =	shalt  }
0x86: {  	_ =	shalt  }
0x87: {  	_ =	shalt  }
.Lfunc_end0:
.L_simem_size_0:
called_computation.2_lowered:
.L_overlay_start_0:
0x88: {  	s2 =	sld [smem:$0x3FD9]  }
0x89: {  	s3 =	sld [smem:$0x3FFE];
	_ =	sdelay $0x1  }
0x8a: {  	s1 =	srdreg.scid  }
0x8b: {  	s0 =	sand.u32 $0x1, s1  }
0x8c: {  	s17 =	sshll.u32 s0, $0xA;
	s2 =	sadd.s32 s3, s2  }
0x8d: {  	s2 =	sadd.s32 s2, s17  }
0x8e: {  	[smem:$0x3F98] =	sst s2  }
0x8f: {  	_ = 	snop  }
0x90: {  	s2 =	sld [smem:$0x3FD0];
	(tm) =	ssettm $0x1  }
0x91: {  	s18 =	sld [smem:$0x3FFB];
	_ =	sdelay $0x3  }
0x92: {  	_ =	strace s18  }
0x93: {  	s3 =	sld [smem:$0x3FFC];
	_ =	sdelay $0x3  }
0x94: {  	_ =	strace s3  }
0x95: {  	s3 =	sld [smem:$0x3FFD];
	_ =	sdelay $0x3  }
0x96: {  	_ =	strace s3  }
0x97: {  	_ =	strace $0x8FFFFFFF  }
0x98: {  	s19 =	sld [smem:$0x3FDB];
	_ =	sdelay $0x1  }
0x99: {  	s4 =	simm.s32 $_scs_section_size  }
0x9a: {  	s5 =	simm.s32 $_size__tile_overlayer_lowered;
	s6 =	simm.s32 $_tile_overlayer_lowered  }
0x9b: {  	s22 =	simm.s32 $0x1BFF;
	s21 =	sshll.u32 s6, $0x1;
	s3 =	sadd.s32 s4, s19  }
0x9c: {  	s7 =	simm.s32 $0x0;
	s20 =	sshll.u32 s5, $0x1;
	s5 =	sadd.s32 s21, s3  }
0x9d: {  	[timem:s7], [sflag:s22] =	dma.local [hbm:s5], s20  }
0x9e: {  	_ =	swait.ge [sflag:s22], s20  }
0x9f: {  	s4 =	ssub.s32 $0x0, s20;
	[sflag:s22] =	ssyncset.done $0x0  }
0xa0: {  	[sflag:s22] =	ssyncadd.s32 s4;
	_ =	sdelay $0x1  }
0xa1: {  	s23 =	simm.s32 $0x1B8B  }
0xa2: {  	_ =	swait.ge [sflag:s23], $0x1  }
0xa3: {  	[sflag:s23] =	ssyncset.done $0x0  }
0xa4: {  	s25 =	simm.s32 $0x1B8E;
	s24 =	sld [smem:$0x3FFE];
	[sflag:s23] =	ssyncadd.s32 $0xFFFFFFFF  }
0xa5: {  	s26 =	simm.s32 $execute0_lowered;
	[smem:$0x3FD2] =	sst s25  }
0xa6: {  	s5 =	sshll.u32 s26, $0x1;
	_ =	strace $0x8000004C;
	[dreg:$0x1] =	wrdreg $0xFFFFFFFF  }
0xa7: {  	s28 =	simm.s32 $_size_execute0_lowered;
	s3 =	sadd.s32 s3, s5;
	[dreg:$0x0] =	wrdreg $0x0  }
0xa8: {  	s5 =	sshll.u32 s28, $0x1;
	[dreg:$0x2] =	wrdreg s3  }
0xa9: {  	[dreg:$0x3] =	wrdreg s5  }
0xaa: {  	[dreg:$0x4] =	wrdreg $0xC0  }
0xab: {  	_ =	task [dreg:s7], $0x5FFFF  }
0xac: {  	[dreg:$0x1] =	wrdreg $0xFFFFFFFF  }
0xad: {  	[dreg:$0x0] =	wrdreg $0x60  }
0xae: {  	[dreg:$0x2] =	wrdreg s2  }
0xaf: {  	[dreg:$0x3] =	wrdreg s24  }
0xb0: {  	[dreg:$0x4] =	wrdreg $0x9  }
0xb1: {  	_ =	task.clear_ibuf [dreg:s7], $0x5FFFF;
	_ =	strace $0x9000004C  }
0xb2: {  	s29 =	simm.s32 $0x9;
	_ =	strace $0x8000004E  }
0xb3: {  	_ =	swait.ge [sflag:s29], $0x1  }
0xb4: {  	[sflag:s29] =	ssyncadd.s32 $0xFFFFFFFF  }
0xb5: {  	_ =	strace $0x9000004E  }
0xb6: {  	_ =	sfence  }
0xb7: {  	s30 =	sld [smem:$0x0];
	_ =	sdelay $0x2  }
0xb8: {  	s31 =	sshll.u32 s1, $0xD;
	s1 =	sshrl.u32 s1, $0x2  }
0xb9: {  	s3 =	sand.u32 $0x4000, s31;
	s1 =	sadd.s32 s1, s30  }
0xba: {  	s0 =	sor.u32 s3, s0;
	s1 =	sshll.u32 s1, $0x11  }
0xbb: {  	s0 =	sor.u32 s1, s0  }
0xbc: {  	s0 =	sadd.s32 $0x8F2B, s0  }
0xbd: {  	[sflag:s0] =	ssyncadd.remote.s32 $0x1  }
0xbe: {  	_ =	sfence.sel $0xFFFF  }
0xbf: {  	[dreg:$0x0] =	wrdreg $0xFFFFFFFF;
	(pc) =	sbr.abs _section_cstart, $3  }
0xc0: {  	[dreg:$0x1] =	wrdreg $0xFFFFFFFF  }
0xc1: {  	_ =	task.clear_ibuf [dreg:s7], $0x2FFFF;
	_ =	strace $0x9FFFFFFF  }
0xc2: {  	(tm) =	ssettm $0x7FFFFFFF  }
0xc3: {  	_ =	shalt  }
tec
execute0_lowered:
.L_overlay_start_1:
0x0: {  	(tag) =	ssettag $0x1  }
0x1: {  	s1 =	srdreg.scid;
	s2 =	rddreg [dreg:$0x0]  }
0x2: {  	s0 =	stileid.u32;
	s5 =	rddreg [dreg:$0x1];
	s3 =	simm.s32 $0x0  }
0x3: {  	s8 =	simm.s32 $0x80;
	s9 =	simm.s32 $0x880;
	s10 =	simm.s32 $0x1080  }
0x4: {  	s11 =	simm.s32 $0x1880;
	s12 =	simm.s32 $0x2080;
	s13 =	simm.s32 $0x2880  }
0x5: {  	s14 =	simm.s32 $0x3080;
	s15 =	simm.s32 $0x3880;
	s16 =	simm.s32 $0x4080  }
0x6: {  	s17 =	simm.s32 $0x4880;
	s4 =	sand.u32 $0x1, s1;
	s30 =	sshll.u32 s0, $0x1  }
0x7: {  	s18 =	simm.s32 $0x5080;
	s19 =	simm.s32 $0x5880;
	s6 =	sor.u32 s4, s30  }
0x8: {  	s20 =	simm.s32 $0x1;
	s1 =	rddreg [dreg:$0x2];
	s7 =	smul.u32 $0xC, s6  }
0x9: {  	[smem:$0x7FF] =	sst s3;
	s4 =	ssub.s32 $0x2, s4;
	s6 =	smul.u32 $0xC00, s6  }
0xa: {  	v2 =	vlaneseq.u32;
	_ =	strace $0x8000004D;
	s31 =	sshrl.u32 s4, $0x1;
	s7 =	sadd.s32 s7, s5  }
0xb: {  	vm0 =	vmmov $0xffff;
	v1 =	vshrl.u32 v2, $0x3;
	s5 =	sadd.s32 s6, s5;
	s6 =	ssub.s32 s4, s31;
	s4 =	sadd.s32 $0x5AE00, s7  }
0xc: {  	v0 =	vand.u32 $0x7, v2;
	v2 =	vor.u32 $0x8, v2;
	v1 =	vmul.u32 $0x8, v1;
	s5 =	sadd.s32 $0x63000, s5;
	s6 =	smax.u32 s6, $0x1;
	s7 =	simm.s32 $0x2  }
.LBB2_1:
0xd: {  	[tilespmem:s3], [sflag:$0x2] =	stream.linear.gather [hbm4b:s4+s3], $0x60, $0x38;
	[tilespmem:$0x6080] =	vst v63  }
0xe: {  	_ =	swait.ge [sflag:s7], $0x60  }
0xf: {  	[sflag:s7] =	ssyncset.done $0x0  }
0x10: {  	[sflag:s7] =	ssyncadd.s32 $0xFFFFFFA0  }
0x11: {  	v3 =	vld [tilespmem:$0x0];
	_ =	sdelay $0x4  }
0x12: {  	v4 =	vshll.u32 v3, $0x1  }
0x13: {  	v3 =	vand.u32 $0x7, v3;
	v4 =	vand.u32 $0xFFFFFFF0, v4  }
0x14: {  	v3 =	vor.u32 v3, v4  }
0x15: {  	v4 =	vperm.xlane v3, v0;
	_ =	sdelay $0x1  }
0x16: {  	v3 =	vperm.xlane v3, v2;
	v4 =	vadd.s32 v1, v4;
	_ =	sdelay $0x1  }
0x17: {  	v3 =	vadd.s32 v1, v3;
	_ =	sdelay $0x2  }
0x18: {  	[tilespmem:s8], [sflag:$0x1] =	stream.indirect_vreg.gather [hbm4b:s2+s3], $0x80, v4, vm0, $0xb8;
	[tilespmem:$0x6080] =	vst v63  }
0x19: {  	_ = 	snop  }
0x1a: {  	[tilespmem:s9], [sflag:$0x1] =	stream.indirect_vreg.gather [hbm4b:s2+s3], $0x80, v3, vm0, $0xb8;
	[tilespmem:$0x6080] =	vst v63  }
0x1b: {  	v3 =	vld [tilespmem:$0x10];
	_ =	sdelay $0x4  }
0x1c: {  	v59 =	vshll.u32 v3, $0x1  }
0x1d: {  	v3 =	vand.u32 $0x7, v3;
	v4 =	vand.u32 $0xFFFFFFF0, v59  }
0x1e: {  	v3 =	vor.u32 v3, v4  }
0x1f: {  	v4 =	vperm.xlane v3, v0;
	_ =	sdelay $0x1  }
0x20: {  	v3 =	vperm.xlane v3, v2;
	v4 =	vadd.s32 v1, v4;
	_ =	sdelay $0x1  }
0x21: {  	v3 =	vadd.s32 v1, v3;
	_ =	sdelay $0x2  }
0x22: {  	[tilespmem:s10], [sflag:$0x1] =	stream.indirect_vreg.gather [hbm4b:s2+s3], $0x80, v4, vm0, $0xb8;
	[tilespmem:$0x6080] =	vst v63  }
0x23: {  	_ = 	snop  }
0x24: {  	[tilespmem:s11], [sflag:$0x1] =	stream.indirect_vreg.gather [hbm4b:s2+s3], $0x80, v3, vm0, $0xb8;
	[tilespmem:$0x6080] =	vst v63  }
0x25: {  	v3 =	vld [tilespmem:$0x20];
	_ =	sdelay $0x4  }
0x26: {  	v60 =	vshll.u32 v3, $0x1  }
0x27: {  	v3 =	vand.u32 $0x7, v3;
	v4 =	vand.u32 $0xFFFFFFF0, v60  }
0x28: {  	v3 =	vor.u32 v3, v4  }
0x29: {  	v4 =	vperm.xlane v3, v0;
	_ =	sdelay $0x1  }
0x2a: {  	v3 =	vperm.xlane v3, v2;
	v4 =	vadd.s32 v1, v4;
	_ =	sdelay $0x1  }
0x2b: {  	v3 =	vadd.s32 v1, v3;
	_ =	sdelay $0x2  }
0x2c: {  	[tilespmem:s12], [sflag:$0x1] =	stream.indirect_vreg.gather [hbm4b:s2+s3], $0x80, v4, vm0, $0xb8;
	[tilespmem:$0x6080] =	vst v63  }
0x2d: {  	_ = 	snop  }
0x2e: {  	[tilespmem:s13], [sflag:$0x1] =	stream.indirect_vreg.gather [hbm4b:s2+s3], $0x80, v3, vm0, $0xb8;
	[tilespmem:$0x6080] =	vst v63  }
0x2f: {  	v3 =	vld [tilespmem:$0x30];
	_ =	sdelay $0x4  }
0x30: {  	v61 =	vshll.u32 v3, $0x1  }
0x31: {  	v3 =	vand.u32 $0x7, v3;
	v4 =	vand.u32 $0xFFFFFFF0, v61  }
0x32: {  	v3 =	vor.u32 v3, v4  }
0x33: {  	v4 =	vperm.xlane v3, v0;
	_ =	sdelay $0x1  }
0x34: {  	v3 =	vperm.xlane v3, v2;
	v4 =	vadd.s32 v1, v4;
	_ =	sdelay $0x1  }
0x35: {  	v3 =	vadd.s32 v1, v3;
	_ =	sdelay $0x2  }
0x36: {  	[tilespmem:s14], [sflag:$0x1] =	stream.indirect_vreg.gather [hbm4b:s2+s3], $0x80, v4, vm0, $0xb8;
	[tilespmem:$0x6080] =	vst v63  }
0x37: {  	_ = 	snop  }
0x38: {  	[tilespmem:s15], [sflag:$0x1] =	stream.indirect_vreg.gather [hbm4b:s2+s3], $0x80, v3, vm0, $0xb8;
	[tilespmem:$0x6080] =	vst v63  }
0x39: {  	v3 =	vld [tilespmem:$0x40];
	_ =	sdelay $0x4  }
0x3a: {  	v62 =	vshll.u32 v3, $0x1  }
0x3b: {  	v3 =	vand.u32 $0x7, v3;
	v4 =	vand.u32 $0xFFFFFFF0, v62  }
0x3c: {  	v3 =	vor.u32 v3, v4  }
0x3d: {  	v4 =	vperm.xlane v3, v0;
	_ =	sdelay $0x1  }
0x3e: {  	v3 =	vperm.xlane v3, v2;
	v4 =	vadd.s32 v1, v4;
	_ =	sdelay $0x1  }
0x3f: {  	v3 =	vadd.s32 v1, v3;
	_ =	sdelay $0x2  }
0x40: {  	[tilespmem:s16], [sflag:$0x1] =	stream.indirect_vreg.gather [hbm4b:s2+s3], $0x80, v4, vm0, $0xb8;
	[tilespmem:$0x6080] =	vst v63  }
0x41: {  	_ = 	snop  }
0x42: {  	[tilespmem:s17], [sflag:$0x1] =	stream.indirect_vreg.gather [hbm4b:s2+s3], $0x80, v3, vm0, $0xb8;
	[tilespmem:$0x6080] =	vst v63  }
0x43: {  	v3 =	vld [tilespmem:$0x50];
	_ =	sdelay $0x4  }
0x44: {  	v63 =	vshll.u32 v3, $0x1  }
0x45: {  	v3 =	vand.u32 $0x7, v3;
	v4 =	vand.u32 $0xFFFFFFF0, v63  }
0x46: {  	v3 =	vor.u32 v3, v4  }
0x47: {  	v4 =	vperm.xlane v3, v0;
	_ =	sdelay $0x1  }
0x48: {  	v3 =	vperm.xlane v3, v2;
	v4 =	vadd.s32 v1, v4;
	_ =	sdelay $0x1  }
0x49: {  	v3 =	vadd.s32 v1, v3;
	_ =	sdelay $0x2  }
0x4a: {  	[tilespmem:s18], [sflag:$0x1] =	stream.indirect_vreg.gather [hbm4b:s2+s3], $0x80, v4, vm0, $0xb8;
	[tilespmem:$0x6080] =	vst v63  }
0x4b: {  	_ = 	snop  }
0x4c: {  	[tilespmem:s19], [sflag:$0x1] =	stream.indirect_vreg.gather [hbm4b:s2+s3], $0x80, v3, vm0, $0xb8;
	[tilespmem:$0x6080] =	vst v63  }
0x4d: {  	_ =	swait.ge [sflag:s20], $0x6000  }
0x4e: {  	p0 =	sne.s32 s6, $0x1;
	[sflag:s20] =	ssyncset.done $0x0  }
.Ltmp0:
0x4f: {  	[sflag:s20] =	ssyncadd.s32 $0xFFFFA000;
	(pc) =	sbr.rel @p0 .LBB2_1-.Ltmp0, $4  }
0x50: {  	[hbm4b:s5+s3] =	stream.linear.scatter [tilespmem:s8], [sflag:$0x2], $0x6000, $0x38;
	[tilespmem:$0x6080] =	vst v63  }
0x51: {  	_ =	swait.ge [sflag:s7], $0x6000  }
0x52: {  	[sflag:s7] =	ssyncset.done $0x0  }
0x53: {  	s6 =	sadd.s32 $0xFFFFFFFF, s6;
	[sflag:s7] =	ssyncadd.s32 $0xFFFFA000  }
0x54: {  	_ =	sfence.sel $0x180000  }
0x55: {  	[bflag:$0x0] =	sbarrier.arrive $0xFFFF  }
0x56: {  	p0 =	sne.s32 s0, $0x0;
	_ =	strace $0x9000004D  }
0x57: {  	s0 =	sadd.s32 @!p0 $0x100000, s1;
	[bflag:$0x2] =	sbarrier.arrive $0xFFFF  }
0x58: {  	[sflag:s0] =	ssyncadd.tile.s32 @!p0 $0x1;
	_ =	shalt  }
.Lfunc_end2:
_tile_overlayer_lowered:
.L_overlay_start_2:
0x59: {  	(tag) =	ssettag $0x2  }
0x5a: {  	s0 =	rddreg [dreg:$0x0];
	s2 =	stileid.u32  }
0x5b: {  	s1 =	rddreg [dreg:$0x1];
	p0 =	sne.s32 s2, $0x0  }
0x5c: {  	s3 =	rddreg [dreg:$0x2];
	[bflag:$0x3] =	sbarrier.arrive $0xFFFF;
	s2 =	simm.s32 @!p0 $0x1C02  }
0x5d: {  	[timem:s3], [sflag:s2] =	dma.local @!p0 [hbm:s0], s1  }
0x5e: {  	s0 =	simm.s32 @!p0 $0x2  }
0x5f: {  	_ =	swait.ge @!p0 [sflag:s0], s1  }
0x60: {  	s1 =	ssub.s32 @!p0 $0x0, s1;
	[sflag:s0] =	ssyncset.done @!p0 $0x0  }
0x61: {  	[sflag:s0] =	ssyncadd.s32 @!p0 s1  }
0x62: {  	[bflag:$0x3] =	sbarrier.arrive $0xFFFF  }
0x63: {  	_ =	shalt  }

</sc_bundles>
